<compile_context>
chip_gen: v7x
topology: tpu7x:2x2x1
jax: 0.10.2.dev20260603
libtpu: 0.0.44.dev20260713+nightly
codegen_flags: <defaults>
</compile_context>

<pallas_src>
import functools

import jax
import jax.numpy as jnp
from jax import lax
from jax.experimental import pallas as pl
from jax.experimental.pallas import tpu as pltpu, tpu_sc as plsc

INPUT_DIM = 100000
D = 32
B = 16384
S = 200

NC = 2
NS = 16
NW = NC * NS
BW = B // NW
BWP = 515


def _embed_body(xt_hbm, tok_hbm, pos_hbm, out_hbm,
                idx0, idx1, rows0, rows1, tb0, tb1, pos_v,
                isem0, isem1, gsem0, gsem1, osem0, osem1):
    wid = lax.axis_index("s") * NC + lax.axis_index("c")
    b0 = wid * BW

    pltpu.sync_copy(pos_hbm, pos_v)

    iota = lax.iota(jnp.int32, 16)
    dhi = iota + 16

    bufs = ((idx0, rows0, tb0, isem0, gsem0, osem0),
            (idx1, rows1, tb1, isem1, gsem1, osem1))

    def idx_src(l):
        return xt_hbm.at[l, pl.ds(b0, BW)]

    def out_dst(l):
        return out_hbm.at[l, :, pl.ds(b0, BW)]

    def transpose_add(l, rows_v, tb_v):
        plo = pos_v[pl.ds(l * D, 16)]
        phi = pos_v[pl.ds(l * D + 16, 16)]

        @pl.loop(0, BW, unroll=8)
        def _per_b(b):
            bsplat = jnp.zeros((16,), jnp.int32) + b
            v0 = rows_v[b, pl.ds(0, 16)] + plo
            v1 = rows_v[b, pl.ds(16, 16)] + phi
            plsc.store_scatter(tb_v, [iota, bsplat], v0)
            plsc.store_scatter(tb_v, [dhi, bsplat], v1)

    pltpu.sync_copy(idx_src(0), idx0)
    pltpu.async_copy(idx_src(1), idx1, isem1)
    pltpu.async_copy(tok_hbm.at[idx0], rows0, gsem0)

    @pl.loop(0, S // 2)
    def _pair(k):
        for par in range(2):
            l = 2 * k + par
            c_idx, c_rows, c_tb, c_isem, c_gsem, c_osem = bufs[par]
            n_idx, n_rows, n_tb, n_isem, n_gsem, n_osem = bufs[1 - par]

            @pl.when(l + 1 < S)
            def _fire_next():
                pltpu.make_async_copy(idx_src(l + 1), n_idx, n_isem).wait()
                pltpu.async_copy(tok_hbm.at[n_idx], n_rows, n_gsem)

            pltpu.make_async_copy(tok_hbm.at[c_idx], c_rows, c_gsem).wait()

            @pl.when(l + 2 < S)
            def _prefetch_idx():
                pltpu.async_copy(idx_src(l + 2), c_idx, c_isem)

            @pl.when(l >= 2)
            def _wait_prev_scatter():
                pltpu.make_async_copy(
                    c_tb.at[:, pl.ds(0, BW)], out_dst(l - 2), c_osem).wait()

            transpose_add(l, c_rows, c_tb)
            pltpu.async_copy(c_tb.at[:, pl.ds(0, BW)], out_dst(l), c_osem)

    pltpu.make_async_copy(tb0.at[:, pl.ds(0, BW)], out_dst(S - 2), osem0).wait()
    pltpu.make_async_copy(tb1.at[:, pl.ds(0, BW)], out_dst(S - 1), osem1).wait()


@jax.jit
def _embed(xt, token_table, pos_flat):
    mesh = plsc.VectorSubcoreMesh(core_axis_name="c", subcore_axis_name="s")
    return pl.kernel(
        _embed_body,
        out_type=jax.ShapeDtypeStruct((S, D, B), jnp.float32),
        mesh=mesh,
        compiler_params=pltpu.CompilerParams(
            use_tc_tiling_on_sc=False, needs_layout_passes=False),
        scratch_types=[
            pltpu.VMEM((BW,), jnp.int32),
            pltpu.VMEM((BW,), jnp.int32),
            pltpu.VMEM((BW, D), jnp.float32),
            pltpu.VMEM((BW, D), jnp.float32),
            pltpu.VMEM((D, BWP), jnp.float32),
            pltpu.VMEM((D, BWP), jnp.float32),
            pltpu.VMEM((S * D,), jnp.float32),
            pltpu.SemaphoreType.DMA,
            pltpu.SemaphoreType.DMA,
            pltpu.SemaphoreType.DMA,
            pltpu.SemaphoreType.DMA,
            pltpu.SemaphoreType.DMA,
            pltpu.SemaphoreType.DMA,
        ],
    )(xt, token_table, pos_flat)


def kernel(x, token_table, position_table):
    xt = x.T.astype(jnp.int32)
    pos_flat = position_table[:S].reshape(-1)
    out_sdb = _embed(xt, token_table, pos_flat)
    return jnp.transpose(out_sdb, (2, 0, 1))

# --- scband reference (transcript-rebuilt; emitter-appended) ---
"""Pipeline reference for scband-positional-embedding-20890720928508 (READ-ONLY COPY).

The authoritative reference and input builder live on the scoring server;
editing this copy changes nothing except your own understanding.
"""

import jax, jax.numpy as jnp
import numpy as np

INPUT_DIM = 100000
OUTPUT_DIM = 32
BATCH = 16384
SEQ = 200


def setup_inputs(seed: int = 0) -> dict:
    key = jax.random.key(seed)
    k1, k2, k3 = jax.random.split(key, 3)
    x = jax.random.randint(k1, (BATCH, SEQ), 0, INPUT_DIM, dtype=jnp.int64 if jax.config.jax_enable_x64 else jnp.int32)
    token_table = jax.random.normal(k2, (INPUT_DIM, OUTPUT_DIM), dtype=jnp.float32)
    position_table = jax.random.normal(k3, (INPUT_DIM, OUTPUT_DIM), dtype=jnp.float32)
    return {"x": x, "token_table": token_table, "position_table": position_table}


def reference(x, token_table, position_table):
    # Faithful translation of PositionalEmbedding.forward:
    #   positions = arange(x.shape[-1])
    #   return token_embedding(x) + position_embedding(positions)
    length = x.shape[-1]
    positions = jnp.arange(length)
    embedded_tokens = jnp.take(token_table, x, axis=0)          # [B, L, D]
    embedded_positions = jnp.take(position_table, positions, axis=0)  # [L, D]
    return embedded_tokens + embedded_positions[None, :, :]

if __name__ == "__main__":
    import jax
    _d = setup_inputs()
    print(jax.jit(kernel)(*tuple(_d.values())))

</pallas_src>

<mosaic_0001>
#map = affine_map<(d0, d1) -> (0, 0)>
#map1 = affine_map<(d0, d1) -> (0)>
#map2 = affine_map<(d0, d1) -> (0, 0, 0)>
module attributes {stable_mosaic.version = 14 : i64} {
  func.func @_embed_body(%arg0: i32, %arg1: i32, %arg2: memref<200x16384xi32, #tpu.memory_space<hbm>>, %arg3: memref<100000x32xf32, #tpu.memory_space<hbm>>, %arg4: memref<6400xf32, #tpu.memory_space<hbm>>, %arg5: memref<200x32x16384xf32, #tpu.memory_space<hbm>>, %arg6: memref<512xi32, #tpu.memory_space<vmem>>, %arg7: memref<512xi32, #tpu.memory_space<vmem>>, %arg8: memref<512x32xf32, #tpu.memory_space<vmem>>, %arg9: memref<512x32xf32, #tpu.memory_space<vmem>>, %arg10: memref<32x515xf32, #tpu.memory_space<vmem>>, %arg11: memref<32x515xf32, #tpu.memory_space<vmem>>, %arg12: memref<6400xf32, #tpu.memory_space<vmem>>, %arg13: memref<!tpu.dma_semaphore, #tpu.memory_space<semaphore_mem>>, %arg14: memref<!tpu.dma_semaphore, #tpu.memory_space<semaphore_mem>>, %arg15: memref<!tpu.dma_semaphore, #tpu.memory_space<semaphore_mem>>, %arg16: memref<!tpu.dma_semaphore, #tpu.memory_space<semaphore_mem>>, %arg17: memref<!tpu.dma_semaphore, #tpu.memory_space<semaphore_mem>>, %arg18: memref<!tpu.dma_semaphore, #tpu.memory_space<semaphore_mem>>) attributes {dimension_semantics = [#tpu.dimension_semantics<core_parallel>, #tpu.dimension_semantics<subcore_parallel>], iteration_bounds = array<i64: 2, 16>, scalar_prefetch = 0 : i64, scratch_operands = 13 : i64, tpu.core_type = #tpu.core_type<sc_vector_subcore>, window_params = [{transform_indices = #map}, {transform_indices = #map}, {transform_indices = #map1}, {transform_indices = #map2}]} {
    %mul3A = arith.constant 2 : i32
    %mul3A_0 = arith.muli %arg1, %mul3A : i32
    %add3A = arith.addi %mul3A_0, %arg0 : i32
    %mul3A_1 = arith.constant 512 : i32
    %mul3A_2 = arith.muli %add3A, %mul3A_1 : i32
    "tpu.region"() ({
      %run_scoped3A_42 = tpu.sem_alloc : memref<!tpu.dma_semaphore, #tpu.memory_space<semaphore_mem>>
      tpu.enqueue_dma source(%arg4 : memref<6400xf32, #tpu.memory_space<hbm>>) target(%arg12 : memref<6400xf32, #tpu.memory_space<vmem>>) target_semaphore(%run_scoped3A_42 : memref<!tpu.dma_semaphore, #tpu.memory_space<semaphore_mem>>)
      tpu.wait_dma2 semaphore(%run_scoped3A_42 : memref<!tpu.dma_semaphore, #tpu.memory_space<semaphore_mem>>) src(%arg4 : memref<6400xf32, #tpu.memory_space<hbm>>) dst(%arg12 : memref<6400xf32, #tpu.memory_space<vmem>>)
      tpu.yield
    }) : () -> ()
    %iota3A = tpu.iota {dimensions = array<i32: 0>} : vector<16xi32>
    %add3A_3 = arith.constant 16 : i32
    %add3A_4 = vector.broadcast %add3A_3 : i32 to vector<16xi32>
    %add3A_5 = arith.addi %iota3A, %add3A_4 : vector<16xi32>
    %run_scoped3A = arith.constant 0 : i32
    "tpu.region"() ({
      %run_scoped3A_42 = tpu.sem_alloc : memref<!tpu.dma_semaphore, #tpu.memory_space<semaphore_mem>>
      %dma_start3A_43 = tpu.memref_slice %arg2[%run_scoped3A, %mul3A_2] : memref<200x16384xi32, #tpu.memory_space<hbm>> -> memref<1x512xi32, #tpu.memory_space<hbm>>
      %dma_start3A_44 = tpu.memref_squeeze %dma_start3A_43 : memref<1x512xi32, #tpu.memory_space<hbm>> -> memref<512xi32, #tpu.memory_space<hbm>>
      %dma_start3A_45 = tpu.memref_slice %arg2[%run_scoped3A, %mul3A_2] : memref<200x16384xi32, #tpu.memory_space<hbm>> -> memref<1x512xi32, #tpu.memory_space<hbm>>
      %dma_start3A_46 = tpu.memref_squeeze %dma_start3A_45 : memref<1x512xi32, #tpu.memory_space<hbm>> -> memref<512xi32, #tpu.memory_space<hbm>>
      tpu.enqueue_dma source(%dma_start3A_46 : memref<512xi32, #tpu.memory_space<hbm>>) target(%arg6 : memref<512xi32, #tpu.memory_space<vmem>>) target_semaphore(%run_scoped3A_42 : memref<!tpu.dma_semaphore, #tpu.memory_space<semaphore_mem>>)
      %dma_wait3A_47 = tpu.memref_slice %arg2[%run_scoped3A, %mul3A_2] : memref<200x16384xi32, #tpu.memory_space<hbm>> -> memref<1x512xi32, #tpu.memory_space<hbm>>
      %dma_wait3A_48 = tpu.memref_squeeze %dma_wait3A_47 : memref<1x512xi32, #tpu.memory_space<hbm>> -> memref<512xi32, #tpu.memory_space<hbm>>
      %dma_wait3A_49 = tpu.memref_slice %arg2[%run_scoped3A, %mul3A_2] : memref<200x16384xi32, #tpu.memory_space<hbm>> -> memref<1x512xi32, #tpu.memory_space<hbm>>
      %dma_wait3A_50 = tpu.memref_squeeze %dma_wait3A_49 : memref<1x512xi32, #tpu.memory_space<hbm>> -> memref<512xi32, #tpu.memory_space<hbm>>
      tpu.wait_dma2 semaphore(%run_scoped3A_42 : memref<!tpu.dma_semaphore, #tpu.memory_space<semaphore_mem>>) src(%dma_wait3A_50 : memref<512xi32, #tpu.memory_space<hbm>>) dst(%arg6 : memref<512xi32, #tpu.memory_space<vmem>>)
      tpu.yield
    }) : () -> ()
    %dma_start3A = arith.constant 1 : i32
    %dma_start3A_6 = tpu.memref_slice %arg2[%dma_start3A, %mul3A_2] : memref<200x16384xi32, #tpu.memory_space<hbm>> -> memref<1x512xi32, #tpu.memory_space<hbm>>
    %dma_start3A_7 = tpu.memref_squeeze %dma_start3A_6 : memref<1x512xi32, #tpu.memory_space<hbm>> -> memref<512xi32, #tpu.memory_space<hbm>>
    %dma_start3A_8 = tpu.memref_slice %arg2[%dma_start3A, %mul3A_2] : memref<200x16384xi32, #tpu.memory_space<hbm>> -> memref<1x512xi32, #tpu.memory_space<hbm>>
    %dma_start3A_9 = tpu.memref_squeeze %dma_start3A_8 : memref<1x512xi32, #tpu.memory_space<hbm>> -> memref<512xi32, #tpu.memory_space<hbm>>
    tpu.enqueue_dma source(%dma_start3A_9 : memref<512xi32, #tpu.memory_space<hbm>>) target(%arg7 : memref<512xi32, #tpu.memory_space<vmem>>) target_semaphore(%arg14 : memref<!tpu.dma_semaphore, #tpu.memory_space<semaphore_mem>>)
    %dma_start3A_10 = arith.constant 0 : i32
    %dma_start3A_11 = arith.constant 0 : i32
    %dma_start3A_12 = tpu.memref_slice %arg3[%dma_start3A_10, %dma_start3A_11] : memref<100000x32xf32, #tpu.memory_space<hbm>> -> memref<100000x32xf32, #tpu.memory_space<hbm>>
    tpu.enqueue_indirect_dma source(%dma_start3A_12 : memref<100000x32xf32, #tpu.memory_space<hbm>>) target(%arg8 : memref<512x32xf32, #tpu.memory_space<vmem>>) offsets(%arg6 : memref<512xi32, #tpu.memory_space<vmem>>) semaphore(%arg15 : memref<!tpu.dma_semaphore, #tpu.memory_space<semaphore_mem>>)
    %scan3A = arith.constant 0 : i32
    %scan3A_13 = arith.constant 100 : i32
    %scan3A_14 = arith.addi %scan3A, %scan3A_13 : i32
    %scan3A_15 = arith.constant 1 : i32
    scf.for %scan3A_42 = %scan3A to %scan3A_14 step %scan3A_15  : i32 {
      %mul3A_43 = arith.constant 1 : i32
      %mul3A_44 = arith.muli %scan3A_42, %mul3A_43 : i32
      %add3A_45 = arith.constant 0 : i32
      %add3A_46 = arith.addi %add3A_45, %mul3A_44 : i32
      %mul3A_47 = arith.constant 2 : i32
      %mul3A_48 = arith.muli %mul3A_47, %add3A_46 : i32
      %add3A_49 = arith.constant 0 : i32
      %add3A_50 = arith.addi %mul3A_48, %add3A_49 : i32
      %add3A_51 = arith.constant 1 : i32
      %add3A_52 = arith.addi %add3A_50, %add3A_51 : i32
      %lt3A = arith.constant 200 : i32
      %lt3A_53 = arith.cmpi slt, %add3A_52, %lt3A : i32
      %convert_element_type3A = arith.extui %lt3A_53 : i1 to i32
      %cond3A = arith.constant 0 : i32
      %cond3A_54 = arith.cmpi ne, %convert_element_type3A, %cond3A : i32
      scf.if %cond3A_54 {
        %add3A_148 = arith.constant 1 : i32
        %add3A_149 = arith.addi %add3A_50, %add3A_148 : i32
        %dma_wait3A_150 = tpu.memref_slice %arg2[%add3A_149, %mul3A_2] : memref<200x16384xi32, #tpu.memory_space<hbm>> -> memref<1x512xi32, #tpu.memory_space<hbm>>
        %dma_wait3A_151 = tpu.memref_squeeze %dma_wait3A_150 : memref<1x512xi32, #tpu.memory_space<hbm>> -> memref<512xi32, #tpu.memory_space<hbm>>
        %dma_wait3A_152 = tpu.memref_slice %arg2[%add3A_149, %mul3A_2] : memref<200x16384xi32, #tpu.memory_space<hbm>> -> memref<1x512xi32, #tpu.memory_space<hbm>>
        %dma_wait3A_153 = tpu.memref_squeeze %dma_wait3A_152 : memref<1x512xi32, #tpu.memory_space<hbm>> -> memref<512xi32, #tpu.memory_space<hbm>>
        tpu.wait_dma2 semaphore(%arg14 : memref<!tpu.dma_semaphore, #tpu.memory_space<semaphore_mem>>) src(%dma_wait3A_153 : memref<512xi32, #tpu.memory_space<hbm>>) dst(%arg7 : memref<512xi32, #tpu.memory_space<vmem>>)
        %dma_start3A_154 = arith.constant 0 : i32
        %dma_start3A_155 = arith.constant 0 : i32
        %dma_start3A_156 = tpu.memref_slice %arg3[%dma_start3A_154, %dma_start3A_155] : memref<100000x32xf32, #tpu.memory_space<hbm>> -> memref<100000x32xf32, #tpu.memory_space<hbm>>
        tpu.enqueue_indirect_dma source(%dma_start3A_156 : memref<100000x32xf32, #tpu.memory_space<hbm>>) target(%arg9 : memref<512x32xf32, #tpu.memory_space<vmem>>) offsets(%arg7 : memref<512xi32, #tpu.memory_space<vmem>>) semaphore(%arg16 : memref<!tpu.dma_semaphore, #tpu.memory_space<semaphore_mem>>)
      } else {
      }
      %dma_wait3A_55 = arith.constant 0 : i32
      %dma_wait3A_56 = arith.constant 0 : i32
      %dma_wait3A_57 = tpu.memref_slice %arg3[%dma_wait3A_55, %dma_wait3A_56] : memref<100000x32xf32, #tpu.memory_space<hbm>> -> memref<100000x32xf32, #tpu.memory_space<hbm>>
      tpu.wait_indirect_dma semaphore(%arg15 : memref<!tpu.dma_semaphore, #tpu.memory_space<semaphore_mem>>) src(%dma_wait3A_57 : memref<100000x32xf32, #tpu.memory_space<hbm>>) dst(%arg8 : memref<512x32xf32, #tpu.memory_space<vmem>>)
      %add3A_58 = arith.constant 2 : i32
      %add3A_59 = arith.addi %add3A_50, %add3A_58 : i32
      %lt3A_60 = arith.constant 200 : i32
      %lt3A_61 = arith.cmpi slt, %add3A_59, %lt3A_60 : i32
      %convert_element_type3A_62 = arith.extui %lt3A_61 : i1 to i32
      %cond3A_63 = arith.constant 0 : i32
      %cond3A_64 = arith.cmpi ne, %convert_element_type3A_62, %cond3A_63 : i32
      scf.if %cond3A_64 {
        %add3A_148 = arith.constant 2 : i32
        %add3A_149 = arith.addi %add3A_50, %add3A_148 : i32
        %dma_start3A_150 = tpu.memref_slice %arg2[%add3A_149, %mul3A_2] : memref<200x16384xi32, #tpu.memory_space<hbm>> -> memref<1x512xi32, #tpu.memory_space<hbm>>
        %dma_start3A_151 = tpu.memref_squeeze %dma_start3A_150 : memref<1x512xi32, #tpu.memory_space<hbm>> -> memref<512xi32, #tpu.memory_space<hbm>>
        %dma_start3A_152 = tpu.memref_slice %arg2[%add3A_149, %mul3A_2] : memref<200x16384xi32, #tpu.memory_space<hbm>> -> memref<1x512xi32, #tpu.memory_space<hbm>>
        %dma_start3A_153 = tpu.memref_squeeze %dma_start3A_152 : memref<1x512xi32, #tpu.memory_space<hbm>> -> memref<512xi32, #tpu.memory_space<hbm>>
        tpu.enqueue_dma source(%dma_start3A_153 : memref<512xi32, #tpu.memory_space<hbm>>) target(%arg6 : memref<512xi32, #tpu.memory_space<vmem>>) target_semaphore(%arg13 : memref<!tpu.dma_semaphore, #tpu.memory_space<semaphore_mem>>)
      } else {
      }
      %ge3A = arith.constant 2 : i32
      %ge3A_65 = arith.cmpi sge, %add3A_50, %ge3A : i32
      %convert_element_type3A_66 = arith.extui %ge3A_65 : i1 to i32
      %cond3A_67 = arith.constant 0 : i32
      %cond3A_68 = arith.cmpi ne, %convert_element_type3A_66, %cond3A_67 : i32
      scf.if %cond3A_68 {
        %sub3A = arith.constant 2 : i32
        %sub3A_148 = arith.subi %add3A_50, %sub3A : i32
        %dma_wait3A_149 = arith.constant 0 : i32
        %dma_wait3A_150 = arith.constant 0 : i32
        %dma_wait3A_151 = tpu.memref_slice %arg10[%dma_wait3A_149, %dma_wait3A_150] : memref<32x515xf32, #tpu.memory_space<vmem>> -> memref<32x512xf32, #tpu.memory_space<vmem>>
        %dma_wait3A_152 = arith.constant 0 : i32
        %dma_wait3A_153 = tpu.memref_slice %arg5[%sub3A_148, %dma_wait3A_152, %mul3A_2] : memref<200x32x16384xf32, #tpu.memory_space<hbm>> -> memref<1x32x512xf32, #tpu.memory_space<hbm>>
        %dma_wait3A_154 = tpu.memref_squeeze %dma_wait3A_153 : memref<1x32x512xf32, #tpu.memory_space<hbm>> -> memref<32x512xf32, #tpu.memory_space<hbm>>
        %dma_wait3A_155 = arith.constant 0 : i32
        %dma_wait3A_156 = tpu.memref_slice %arg5[%sub3A_148, %dma_wait3A_155, %mul3A_2] : memref<200x32x16384xf32, #tpu.memory_space<hbm>> -> memref<1x32x512xf32, #tpu.memory_space<hbm>>
        %dma_wait3A_157 = tpu.memref_squeeze %dma_wait3A_156 : memref<1x32x512xf32, #tpu.memory_space<hbm>> -> memref<32x512xf32, #tpu.memory_space<hbm>>
        %dma_wait3A_158 = arith.constant 0 : i32
        %dma_wait3A_159 = arith.constant 0 : i32
        %dma_wait3A_160 = tpu.memref_slice %arg10[%dma_wait3A_158, %dma_wait3A_159] : memref<32x515xf32, #tpu.memory_space<vmem>> -> memref<32x512xf32, #tpu.memory_space<vmem>>
        tpu.wait_dma2 semaphore(%arg17 : memref<!tpu.dma_semaphore, #tpu.memory_space<semaphore_mem>>) src(%dma_wait3A_160 : memref<32x512xf32, #tpu.memory_space<vmem>>) dst(%dma_wait3A_157 : memref<32x512xf32, #tpu.memory_space<hbm>>)
      } else {
      }
      %mul3A_69 = arith.constant 32 : i32
      %mul3A_70 = arith.muli %add3A_50, %mul3A_69 : i32
      %get3A = arith.index_cast %mul3A_70 : i32 to index
      %get3A_71 = tpu.vector_load %arg12[%get3A] {strides = array<i32>} : memref<6400xf32, #tpu.memory_space<vmem>>, vector<16xf32>,
      %mul3A_72 = arith.constant 32 : i32
      %mul3A_73 = arith.muli %add3A_50, %mul3A_72 : i32
      %add3A_74 = arith.constant 16 : i32
      %add3A_75 = arith.addi %mul3A_73, %add3A_74 : i32
      %get3A_76 = arith.index_cast %add3A_75 : i32 to index
      %get3A_77 = tpu.vector_load %arg12[%get3A_76] {strides = array<i32>} : memref<6400xf32, #tpu.memory_space<vmem>>, vector<16xf32>,
      %scan3A_78 = arith.constant 0 : i32
      %scan3A_79 = arith.constant 512 : i32
      %scan3A_80 = arith.addi %scan3A_78, %scan3A_79 : i32
      %scan3A_81 = arith.constant 8 : i32
      scf.for %scan3A_148 = %scan3A_78 to %scan3A_80 step %scan3A_81  : i32 {
        %mul3A_149 = arith.constant 1 : i32
        %mul3A_150 = arith.muli %scan3A_148, %mul3A_149 : i32
        %add3A_151 = arith.constant 0 : i32
        %add3A_152 = arith.addi %add3A_151, %mul3A_150 : i32
        %broadcast_in_dim3A = arith.constant 0 : i32
        %broadcast_in_dim3A_153 = vector.broadcast %broadcast_in_dim3A : i32 to vector<16xi32>
        %add3A_154 = vector.broadcast %add3A_152 : i32 to vector<16xi32>
        %add3A_155 = arith.addi %broadcast_in_dim3A_153, %add3A_154 : vector<16xi32>
        %get3A_156 = arith.index_cast %add3A_152 : i32 to index
        %get3A_157 = arith.constant 0 : index
        %get3A_158 = tpu.vector_load %arg8[%get3A_156, %get3A_157] {strides = array<i32>} : memref<512x32xf32, #tpu.memory_space<vmem>>, vector<16xf32>,
        %add3A_159 = arith.addf %get3A_158, %get3A_71 : vector<16xf32>
        %get3A_160 = arith.index_cast %add3A_152 : i32 to index
        %get3A_161 = arith.constant 16 : index
        %get3A_162 = tpu.vector_load %arg8[%get3A_160, %get3A_161] {strides = array<i32>} : memref<512x32xf32, #tpu.memory_space<vmem>>, vector<16xf32>,
        %add3A_163 = arith.addf %get3A_162, %get3A_77 : vector<16xf32>
        tpu.vector_store_idx %arg10[%iota3A, %add3A_155], %add3A_159 : memref<32x515xf32, #tpu.memory_space<vmem>>[vector<16xi32>, vector<16xi32>], vector<16xf32>,
        tpu.vector_store_idx %arg10[%add3A_5, %add3A_155], %add3A_163 : memref<32x515xf32, #tpu.memory_space<vmem>>[vector<16xi32>, vector<16xi32>], vector<16xf32>,
        %scan3A_164 = arith.constant 1 : i32
        %scan3A_165 = arith.addi %scan3A_148, %scan3A_164 : i32
        %mul3A_166 = arith.constant 1 : i32
        %mul3A_167 = arith.muli %scan3A_165, %mul3A_166 : i32
        %add3A_168 = arith.constant 0 : i32
        %add3A_169 = arith.addi %add3A_168, %mul3A_167 : i32
        %broadcast_in_dim3A_170 = arith.constant 0 : i32
        %broadcast_in_dim3A_171 = vector.broadcast %broadcast_in_dim3A_170 : i32 to vector<16xi32>
        %add3A_172 = vector.broadcast %add3A_169 : i32 to vector<16xi32>
        %add3A_173 = arith.addi %broadcast_in_dim3A_171, %add3A_172 : vector<16xi32>
        %get3A_174 = arith.index_cast %add3A_169 : i32 to index
        %get3A_175 = arith.constant 0 : index
        %get3A_176 = tpu.vector_load %arg8[%get3A_174, %get3A_175] {strides = array<i32>} : memref<512x32xf32, #tpu.memory_space<vmem>>, vector<16xf32>,
        %add3A_177 = arith.addf %get3A_176, %get3A_71 : vector<16xf32>
        %get3A_178 = arith.index_cast %add3A_169 : i32 to index
        %get3A_179 = arith.constant 16 : index
        %get3A_180 = tpu.vector_load %arg8[%get3A_178, %get3A_179] {strides = array<i32>} : memref<512x32xf32, #tpu.memory_space<vmem>>, vector<16xf32>,
        %add3A_181 = arith.addf %get3A_180, %get3A_77 : vector<16xf32>
        tpu.vector_store_idx %arg10[%iota3A, %add3A_173], %add3A_177 : memref<32x515xf32, #tpu.memory_space<vmem>>[vector<16xi32>, vector<16xi32>], vector<16xf32>,
        tpu.vector_store_idx %arg10[%add3A_5, %add3A_173], %add3A_181 : memref<32x515xf32, #tpu.memory_space<vmem>>[vector<16xi32>, vector<16xi32>], vector<16xf32>,
        %scan3A_182 = arith.constant 2 : i32
        %scan3A_183 = arith.addi %scan3A_148, %scan3A_182 : i32
        %mul3A_184 = arith.constant 1 : i32
        %mul3A_185 = arith.muli %scan3A_183, %mul3A_184 : i32
        %add3A_186 = arith.constant 0 : i32
        %add3A_187 = arith.addi %add3A_186, %mul3A_185 : i32
        %broadcast_in_dim3A_188 = arith.constant 0 : i32
        %broadcast_in_dim3A_189 = vector.broadcast %broadcast_in_dim3A_188 : i32 to vector<16xi32>
        %add3A_190 = vector.broadcast %add3A_187 : i32 to vector<16xi32>
        %add3A_191 = arith.addi %broadcast_in_dim3A_189, %add3A_190 : vector<16xi32>
        %get3A_192 = arith.index_cast %add3A_187 : i32 to index
        %get3A_193 = arith.constant 0 : index
        %get3A_194 = tpu.vector_load %arg8[%get3A_192, %get3A_193] {strides = array<i32>} : memref<512x32xf32, #tpu.memory_space<vmem>>, vector<16xf32>,
        %add3A_195 = arith.addf %get3A_194, %get3A_71 : vector<16xf32>
        %get3A_196 = arith.index_cast %add3A_187 : i32 to index
        %get3A_197 = arith.constant 16 : index
        %get3A_198 = tpu.vector_load %arg8[%get3A_196, %get3A_197] {strides = array<i32>} : memref<512x32xf32, #tpu.memory_space<vmem>>, vector<16xf32>,
        %add3A_199 = arith.addf %get3A_198, %get3A_77 : vector<16xf32>
        tpu.vector_store_idx %arg10[%iota3A, %add3A_191], %add3A_195 : memref<32x515xf32, #tpu.memory_space<vmem>>[vector<16xi32>, vector<16xi32>], vector<16xf32>,
        tpu.vector_store_idx %arg10[%add3A_5, %add3A_191], %add3A_199 : memref<32x515xf32, #tpu.memory_space<vmem>>[vector<16xi32>, vector<16xi32>], vector<16xf32>,
        %scan3A_200 = arith.constant 3 : i32
        %scan3A_201 = arith.addi %scan3A_148, %scan3A_200 : i32
        %mul3A_202 = arith.constant 1 : i32
        %mul3A_203 = arith.muli %scan3A_201, %mul3A_202 : i32
        %add3A_204 = arith.constant 0 : i32
        %add3A_205 = arith.addi %add3A_204, %mul3A_203 : i32
        %broadcast_in_dim3A_206 = arith.constant 0 : i32
        %broadcast_in_dim3A_207 = vector.broadcast %broadcast_in_dim3A_206 : i32 to vector<16xi32>
        %add3A_208 = vector.broadcast %add3A_205 : i32 to vector<16xi32>
        %add3A_209 = arith.addi %broadcast_in_dim3A_207, %add3A_208 : vector<16xi32>
        %get3A_210 = arith.index_cast %add3A_205 : i32 to index
        %get3A_211 = arith.constant 0 : index
        %get3A_212 = tpu.vector_load %arg8[%get3A_210, %get3A_211] {strides = array<i32>} : memref<512x32xf32, #tpu.memory_space<vmem>>, vector<16xf32>,
        %add3A_213 = arith.addf %get3A_212, %get3A_71 : vector<16xf32>
        %get3A_214 = arith.index_cast %add3A_205 : i32 to index
        %get3A_215 = arith.constant 16 : index
        %get3A_216 = tpu.vector_load %arg8[%get3A_214, %get3A_215] {strides = array<i32>} : memref<512x32xf32, #tpu.memory_space<vmem>>, vector<16xf32>,
        %add3A_217 = arith.addf %get3A_216, %get3A_77 : vector<16xf32>
        tpu.vector_store_idx %arg10[%iota3A, %add3A_209], %add3A_213 : memref<32x515xf32, #tpu.memory_space<vmem>>[vector<16xi32>, vector<16xi32>], vector<16xf32>,
        tpu.vector_store_idx %arg10[%add3A_5, %add3A_209], %add3A_217 : memref<32x515xf32, #tpu.memory_space<vmem>>[vector<16xi32>, vector<16xi32>], vector<16xf32>,
        %scan3A_218 = arith.constant 4 : i32
        %scan3A_219 = arith.addi %scan3A_148, %scan3A_218 : i32
        %mul3A_220 = arith.constant 1 : i32
        %mul3A_221 = arith.muli %scan3A_219, %mul3A_220 : i32
        %add3A_222 = arith.constant 0 : i32
        %add3A_223 = arith.addi %add3A_222, %mul3A_221 : i32
        %broadcast_in_dim3A_224 = arith.constant 0 : i32
        %broadcast_in_dim3A_225 = vector.broadcast %broadcast_in_dim3A_224 : i32 to vector<16xi32>
        %add3A_226 = vector.broadcast %add3A_223 : i32 to vector<16xi32>
        %add3A_227 = arith.addi %broadcast_in_dim3A_225, %add3A_226 : vector<16xi32>
        %get3A_228 = arith.index_cast %add3A_223 : i32 to index
        %get3A_229 = arith.constant 0 : index
        %get3A_230 = tpu.vector_load %arg8[%get3A_228, %get3A_229] {strides = array<i32>} : memref<512x32xf32, #tpu.memory_space<vmem>>, vector<16xf32>,
        %add3A_231 = arith.addf %get3A_230, %get3A_71 : vector<16xf32>
        %get3A_232 = arith.index_cast %add3A_223 : i32 to index
        %get3A_233 = arith.constant 16 : index
        %get3A_234 = tpu.vector_load %arg8[%get3A_232, %get3A_233] {strides = array<i32>} : memref<512x32xf32, #tpu.memory_space<vmem>>, vector<16xf32>,
        %add3A_235 = arith.addf %get3A_234, %get3A_77 : vector<16xf32>
        tpu.vector_store_idx %arg10[%iota3A, %add3A_227], %add3A_231 : memref<32x515xf32, #tpu.memory_space<vmem>>[vector<16xi32>, vector<16xi32>], vector<16xf32>,
        tpu.vector_store_idx %arg10[%add3A_5, %add3A_227], %add3A_235 : memref<32x515xf32, #tpu.memory_space<vmem>>[vector<16xi32>, vector<16xi32>], vector<16xf32>,
        %scan3A_236 = arith.constant 5 : i32
        %scan3A_237 = arith.addi %scan3A_148, %scan3A_236 : i32
        %mul3A_238 = arith.constant 1 : i32
        %mul3A_239 = arith.muli %scan3A_237, %mul3A_238 : i32
        %add3A_240 = arith.constant 0 : i32
        %add3A_241 = arith.addi %add3A_240, %mul3A_239 : i32
        %broadcast_in_dim3A_242 = arith.constant 0 : i32
        %broadcast_in_dim3A_243 = vector.broadcast %broadcast_in_dim3A_242 : i32 to vector<16xi32>
        %add3A_244 = vector.broadcast %add3A_241 : i32 to vector<16xi32>
        %add3A_245 = arith.addi %broadcast_in_dim3A_243, %add3A_244 : vector<16xi32>
        %get3A_246 = arith.index_cast %add3A_241 : i32 to index
        %get3A_247 = arith.constant 0 : index
        %get3A_248 = tpu.vector_load %arg8[%get3A_246, %get3A_247] {strides = array<i32>} : memref<512x32xf32, #tpu.memory_space<vmem>>, vector<16xf32>,
        %add3A_249 = arith.addf %get3A_248, %get3A_71 : vector<16xf32>
        %get3A_250 = arith.index_cast %add3A_241 : i32 to index
        %get3A_251 = arith.constant 16 : index
        %get3A_252 = tpu.vector_load %arg8[%get3A_250, %get3A_251] {strides = array<i32>} : memref<512x32xf32, #tpu.memory_space<vmem>>, vector<16xf32>,
        %add3A_253 = arith.addf %get3A_252, %get3A_77 : vector<16xf32>
        tpu.vector_store_idx %arg10[%iota3A, %add3A_245], %add3A_249 : memref<32x515xf32, #tpu.memory_space<vmem>>[vector<16xi32>, vector<16xi32>], vector<16xf32>,
        tpu.vector_store_idx %arg10[%add3A_5, %add3A_245], %add3A_253 : memref<32x515xf32, #tpu.memory_space<vmem>>[vector<16xi32>, vector<16xi32>], vector<16xf32>,
        %scan3A_254 = arith.constant 6 : i32
        %scan3A_255 = arith.addi %scan3A_148, %scan3A_254 : i32
        %mul3A_256 = arith.constant 1 : i32
        %mul3A_257 = arith.muli %scan3A_255, %mul3A_256 : i32
        %add3A_258 = arith.constant 0 : i32
        %add3A_259 = arith.addi %add3A_258, %mul3A_257 : i32
        %broadcast_in_dim3A_260 = arith.constant 0 : i32
        %broadcast_in_dim3A_261 = vector.broadcast %broadcast_in_dim3A_260 : i32 to vector<16xi32>
        %add3A_262 = vector.broadcast %add3A_259 : i32 to vector<16xi32>
        %add3A_263 = arith.addi %broadcast_in_dim3A_261, %add3A_262 : vector<16xi32>
        %get3A_264 = arith.index_cast %add3A_259 : i32 to index
        %get3A_265 = arith.constant 0 : index
        %get3A_266 = tpu.vector_load %arg8[%get3A_264, %get3A_265] {strides = array<i32>} : memref<512x32xf32, #tpu.memory_space<vmem>>, vector<16xf32>,
        %add3A_267 = arith.addf %get3A_266, %get3A_71 : vector<16xf32>
        %get3A_268 = arith.index_cast %add3A_259 : i32 to index
        %get3A_269 = arith.constant 16 : index
        %get3A_270 = tpu.vector_load %arg8[%get3A_268, %get3A_269] {strides = array<i32>} : memref<512x32xf32, #tpu.memory_space<vmem>>, vector<16xf32>,
        %add3A_271 = arith.addf %get3A_270, %get3A_77 : vector<16xf32>
        tpu.vector_store_idx %arg10[%iota3A, %add3A_263], %add3A_267 : memref<32x515xf32, #tpu.memory_space<vmem>>[vector<16xi32>, vector<16xi32>], vector<16xf32>,
        tpu.vector_store_idx %arg10[%add3A_5, %add3A_263], %add3A_271 : memref<32x515xf32, #tpu.memory_space<vmem>>[vector<16xi32>, vector<16xi32>], vector<16xf32>,
        %scan3A_272 = arith.constant 7 : i32
        %scan3A_273 = arith.addi %scan3A_148, %scan3A_272 : i32
        %mul3A_274 = arith.constant 1 : i32
        %mul3A_275 = arith.muli %scan3A_273, %mul3A_274 : i32
        %add3A_276 = arith.constant 0 : i32
        %add3A_277 = arith.addi %add3A_276, %mul3A_275 : i32
        %broadcast_in_dim3A_278 = arith.constant 0 : i32
        %broadcast_in_dim3A_279 = vector.broadcast %broadcast_in_dim3A_278 : i32 to vector<16xi32>
        %add3A_280 = vector.broadcast %add3A_277 : i32 to vector<16xi32>
        %add3A_281 = arith.addi %broadcast_in_dim3A_279, %add3A_280 : vector<16xi32>
        %get3A_282 = arith.index_cast %add3A_277 : i32 to index
        %get3A_283 = arith.constant 0 : index
        %get3A_284 = tpu.vector_load %arg8[%get3A_282, %get3A_283] {strides = array<i32>} : memref<512x32xf32, #tpu.memory_space<vmem>>, vector<16xf32>,
        %add3A_285 = arith.addf %get3A_284, %get3A_71 : vector<16xf32>
        %get3A_286 = arith.index_cast %add3A_277 : i32 to index
        %get3A_287 = arith.constant 16 : index
        %get3A_288 = tpu.vector_load %arg8[%get3A_286, %get3A_287] {strides = array<i32>} : memref<512x32xf32, #tpu.memory_space<vmem>>, vector<16xf32>,
        %add3A_289 = arith.addf %get3A_288, %get3A_77 : vector<16xf32>
        tpu.vector_store_idx %arg10[%iota3A, %add3A_281], %add3A_285 : memref<32x515xf32, #tpu.memory_space<vmem>>[vector<16xi32>, vector<16xi32>], vector<16xf32>,
        tpu.vector_store_idx %arg10[%add3A_5, %add3A_281], %add3A_289 : memref<32x515xf32, #tpu.memory_space<vmem>>[vector<16xi32>, vector<16xi32>], vector<16xf32>,
      }
      %scan3A_82 = arith.constant 512 : i32
      %dma_start3A_83 = arith.constant 0 : i32
      %dma_start3A_84 = arith.constant 0 : i32
      %dma_start3A_85 = tpu.memref_slice %arg10[%dma_start3A_83, %dma_start3A_84] : memref<32x515xf32, #tpu.memory_space<vmem>> -> memref<32x512xf32, #tpu.memory_space<vmem>>
      %dma_start3A_86 = arith.constant 0 : i32
      %dma_start3A_87 = tpu.memref_slice %arg5[%add3A_50, %dma_start3A_86, %mul3A_2] : memref<200x32x16384xf32, #tpu.memory_space<hbm>> -> memref<1x32x512xf32, #tpu.memory_space<hbm>>
      %dma_start3A_88 = tpu.memref_squeeze %dma_start3A_87 : memref<1x32x512xf32, #tpu.memory_space<hbm>> -> memref<32x512xf32, #tpu.memory_space<hbm>>
      %dma_start3A_89 = arith.constant 0 : i32
      %dma_start3A_90 = tpu.memref_slice %arg5[%add3A_50, %dma_start3A_89, %mul3A_2] : memref<200x32x16384xf32, #tpu.memory_space<hbm>> -> memref<1x32x512xf32, #tpu.memory_space<hbm>>
      %dma_start3A_91 = tpu.memref_squeeze %dma_start3A_90 : memref<1x32x512xf32, #tpu.memory_space<hbm>> -> memref<32x512xf32, #tpu.memory_space<hbm>>
      %dma_start3A_92 = arith.constant 0 : i32
      %dma_start3A_93 = arith.constant 0 : i32
      %dma_start3A_94 = tpu.memref_slice %arg10[%dma_start3A_92, %dma_start3A_93] : memref<32x515xf32, #tpu.memory_space<vmem>> -> memref<32x512xf32, #tpu.memory_space<vmem>>
      tpu.enqueue_dma source(%dma_start3A_94 : memref<32x512xf32, #tpu.memory_space<vmem>>) target(%dma_start3A_91 : memref<32x512xf32, #tpu.memory_space<hbm>>) target_semaphore(%arg17 : memref<!tpu.dma_semaphore, #tpu.memory_space<semaphore_mem>>)
      %mul3A_95 = arith.constant 2 : i32
      %mul3A_96 = arith.muli %mul3A_95, %add3A_46 : i32
      %add3A_97 = arith.constant 1 : i32
      %add3A_98 = arith.addi %mul3A_96, %add3A_97 : i32
      %add3A_99 = arith.constant 1 : i32
      %add3A_100 = arith.addi %add3A_98, %add3A_99 : i32
      %lt3A_101 = arith.constant 200 : i32
      %lt3A_102 = arith.cmpi slt, %add3A_100, %lt3A_101 : i32
      %convert_element_type3A_103 = arith.extui %lt3A_102 : i1 to i32
      %cond3A_104 = arith.constant 0 : i32
      %cond3A_105 = arith.cmpi ne, %convert_element_type3A_103, %cond3A_104 : i32
      scf.if %cond3A_105 {
        %add3A_148 = arith.constant 1 : i32
        %add3A_149 = arith.addi %add3A_98, %add3A_148 : i32
        %dma_wait3A_150 = tpu.memref_slice %arg2[%add3A_149, %mul3A_2] : memref<200x16384xi32, #tpu.memory_space<hbm>> -> memref<1x512xi32, #tpu.memory_space<hbm>>
        %dma_wait3A_151 = tpu.memref_squeeze %dma_wait3A_150 : memref<1x512xi32, #tpu.memory_space<hbm>> -> memref<512xi32, #tpu.memory_space<hbm>>
        %dma_wait3A_152 = tpu.memref_slice %arg2[%add3A_149, %mul3A_2] : memref<200x16384xi32, #tpu.memory_space<hbm>> -> memref<1x512xi32, #tpu.memory_space<hbm>>
        %dma_wait3A_153 = tpu.memref_squeeze %dma_wait3A_152 : memref<1x512xi32, #tpu.memory_space<hbm>> -> memref<512xi32, #tpu.memory_space<hbm>>
        tpu.wait_dma2 semaphore(%arg13 : memref<!tpu.dma_semaphore, #tpu.memory_space<semaphore_mem>>) src(%dma_wait3A_153 : memref<512xi32, #tpu.memory_space<hbm>>) dst(%arg6 : memref<512xi32, #tpu.memory_space<vmem>>)
        %dma_start3A_154 = arith.constant 0 : i32
        %dma_start3A_155 = arith.constant 0 : i32
        %dma_start3A_156 = tpu.memref_slice %arg3[%dma_start3A_154, %dma_start3A_155] : memref<100000x32xf32, #tpu.memory_space<hbm>> -> memref<100000x32xf32, #tpu.memory_space<hbm>>
        tpu.enqueue_indirect_dma source(%dma_start3A_156 : memref<100000x32xf32, #tpu.memory_space<hbm>>) target(%arg8 : memref<512x32xf32, #tpu.memory_space<vmem>>) offsets(%arg6 : memref<512xi32, #tpu.memory_space<vmem>>) semaphore(%arg15 : memref<!tpu.dma_semaphore, #tpu.memory_space<semaphore_mem>>)
      } else {
      }
      %dma_wait3A_106 = arith.constant 0 : i32
      %dma_wait3A_107 = arith.constant 0 : i32
      %dma_wait3A_108 = tpu.memref_slice %arg3[%dma_wait3A_106, %dma_wait3A_107] : memref<100000x32xf32, #tpu.memory_space<hbm>> -> memref<100000x32xf32, #tpu.memory_space<hbm>>
      tpu.wait_indirect_dma semaphore(%arg16 : memref<!tpu.dma_semaphore, #tpu.memory_space<semaphore_mem>>) src(%dma_wait3A_108 : memref<100000x32xf32, #tpu.memory_space<hbm>>) dst(%arg9 : memref<512x32xf32, #tpu.memory_space<vmem>>)
      %add3A_109 = arith.constant 2 : i32
      %add3A_110 = arith.addi %add3A_98, %add3A_109 : i32
      %lt3A_111 = arith.constant 200 : i32
      %lt3A_112 = arith.cmpi slt, %add3A_110, %lt3A_111 : i32
      %convert_element_type3A_113 = arith.extui %lt3A_112 : i1 to i32
      %cond3A_114 = arith.constant 0 : i32
      %cond3A_115 = arith.cmpi ne, %convert_element_type3A_113, %cond3A_114 : i32
      scf.if %cond3A_115 {
        %add3A_148 = arith.constant 2 : i32
        %add3A_149 = arith.addi %add3A_98, %add3A_148 : i32
        %dma_start3A_150 = tpu.memref_slice %arg2[%add3A_149, %mul3A_2] : memref<200x16384xi32, #tpu.memory_space<hbm>> -> memref<1x512xi32, #tpu.memory_space<hbm>>
        %dma_start3A_151 = tpu.memref_squeeze %dma_start3A_150 : memref<1x512xi32, #tpu.memory_space<hbm>> -> memref<512xi32, #tpu.memory_space<hbm>>
        %dma_start3A_152 = tpu.memref_slice %arg2[%add3A_149, %mul3A_2] : memref<200x16384xi32, #tpu.memory_space<hbm>> -> memref<1x512xi32, #tpu.memory_space<hbm>>
        %dma_start3A_153 = tpu.memref_squeeze %dma_start3A_152 : memref<1x512xi32, #tpu.memory_space<hbm>> -> memref<512xi32, #tpu.memory_space<hbm>>
        tpu.enqueue_dma source(%dma_start3A_153 : memref<512xi32, #tpu.memory_space<hbm>>) target(%arg7 : memref<512xi32, #tpu.memory_space<vmem>>) target_semaphore(%arg14 : memref<!tpu.dma_semaphore, #tpu.memory_space<semaphore_mem>>)
      } else {
      }
      %ge3A_116 = arith.constant 2 : i32
      %ge3A_117 = arith.cmpi sge, %add3A_98, %ge3A_116 : i32
      %convert_element_type3A_118 = arith.extui %ge3A_117 : i1 to i32
      %cond3A_119 = arith.constant 0 : i32
      %cond3A_120 = arith.cmpi ne, %convert_element_type3A_118, %cond3A_119 : i32
      scf.if %cond3A_120 {
        %sub3A = arith.constant 2 : i32
        %sub3A_148 = arith.subi %add3A_98, %sub3A : i32
        %dma_wait3A_149 = arith.constant 0 : i32
        %dma_wait3A_150 = arith.constant 0 : i32
        %dma_wait3A_151 = tpu.memref_slice %arg11[%dma_wait3A_149, %dma_wait3A_150] : memref<32x515xf32, #tpu.memory_space<vmem>> -> memref<32x512xf32, #tpu.memory_space<vmem>>
        %dma_wait3A_152 = arith.constant 0 : i32
        %dma_wait3A_153 = tpu.memref_slice %arg5[%sub3A_148, %dma_wait3A_152, %mul3A_2] : memref<200x32x16384xf32, #tpu.memory_space<hbm>> -> memref<1x32x512xf32, #tpu.memory_space<hbm>>
        %dma_wait3A_154 = tpu.memref_squeeze %dma_wait3A_153 : memref<1x32x512xf32, #tpu.memory_space<hbm>> -> memref<32x512xf32, #tpu.memory_space<hbm>>
        %dma_wait3A_155 = arith.constant 0 : i32
        %dma_wait3A_156 = tpu.memref_slice %arg5[%sub3A_148, %dma_wait3A_155, %mul3A_2] : memref<200x32x16384xf32, #tpu.memory_space<hbm>> -> memref<1x32x512xf32, #tpu.memory_space<hbm>>
        %dma_wait3A_157 = tpu.memref_squeeze %dma_wait3A_156 : memref<1x32x512xf32, #tpu.memory_space<hbm>> -> memref<32x512xf32, #tpu.memory_space<hbm>>
        %dma_wait3A_158 = arith.constant 0 : i32
        %dma_wait3A_159 = arith.constant 0 : i32
        %dma_wait3A_160 = tpu.memref_slice %arg11[%dma_wait3A_158, %dma_wait3A_159] : memref<32x515xf32, #tpu.memory_space<vmem>> -> memref<32x512xf32, #tpu.memory_space<vmem>>
        tpu.wait_dma2 semaphore(%arg18 : memref<!tpu.dma_semaphore, #tpu.memory_space<semaphore_mem>>) src(%dma_wait3A_160 : memref<32x512xf32, #tpu.memory_space<vmem>>) dst(%dma_wait3A_157 : memref<32x512xf32, #tpu.memory_space<hbm>>)
      } else {
      }
      %mul3A_121 = arith.constant 32 : i32
      %mul3A_122 = arith.muli %add3A_98, %mul3A_121 : i32
      %get3A_123 = arith.index_cast %mul3A_122 : i32 to index
      %get3A_124 = tpu.vector_load %arg12[%get3A_123] {strides = array<i32>} : memref<6400xf32, #tpu.memory_space<vmem>>, vector<16xf32>,
      %mul3A_125 = arith.constant 32 : i32
      %mul3A_126 = arith.muli %add3A_98, %mul3A_125 : i32
      %add3A_127 = arith.constant 16 : i32
      %add3A_128 = arith.addi %mul3A_126, %add3A_127 : i32
      %get3A_129 = arith.index_cast %add3A_128 : i32 to index
      %get3A_130 = tpu.vector_load %arg12[%get3A_129] {strides = array<i32>} : memref<6400xf32, #tpu.memory_space<vmem>>, vector<16xf32>,
      %scan3A_131 = arith.constant 0 : i32
      %scan3A_132 = arith.constant 512 : i32
      %scan3A_133 = arith.addi %scan3A_131, %scan3A_132 : i32
      %scan3A_134 = arith.constant 8 : i32
      scf.for %scan3A_148 = %scan3A_131 to %scan3A_133 step %scan3A_134  : i32 {
        %mul3A_149 = arith.constant 1 : i32
        %mul3A_150 = arith.muli %scan3A_148, %mul3A_149 : i32
        %add3A_151 = arith.constant 0 : i32
        %add3A_152 = arith.addi %add3A_151, %mul3A_150 : i32
        %broadcast_in_dim3A = arith.constant 0 : i32
        %broadcast_in_dim3A_153 = vector.broadcast %broadcast_in_dim3A : i32 to vector<16xi32>
        %add3A_154 = vector.broadcast %add3A_152 : i32 to vector<16xi32>
        %add3A_155 = arith.addi %broadcast_in_dim3A_153, %add3A_154 : vector<16xi32>
        %get3A_156 = arith.index_cast %add3A_152 : i32 to index
        %get3A_157 = arith.constant 0 : index
        %get3A_158 = tpu.vector_load %arg9[%get3A_156, %get3A_157] {strides = array<i32>} : memref<512x32xf32, #tpu.memory_space<vmem>>, vector<16xf32>,
        %add3A_159 = arith.addf %get3A_158, %get3A_124 : vector<16xf32>
        %get3A_160 = arith.index_cast %add3A_152 : i32 to index
        %get3A_161 = arith.constant 16 : index
        %get3A_162 = tpu.vector_load %arg9[%get3A_160, %get3A_161] {strides = array<i32>} : memref<512x32xf32, #tpu.memory_space<vmem>>, vector<16xf32>,
        %add3A_163 = arith.addf %get3A_162, %get3A_130 : vector<16xf32>
        tpu.vector_store_idx %arg11[%iota3A, %add3A_155], %add3A_159 : memref<32x515xf32, #tpu.memory_space<vmem>>[vector<16xi32>, vector<16xi32>], vector<16xf32>,
        tpu.vector_store_idx %arg11[%add3A_5, %add3A_155], %add3A_163 : memref<32x515xf32, #tpu.memory_space<vmem>>[vector<16xi32>, vector<16xi32>], vector<16xf32>,
        %scan3A_164 = arith.constant 1 : i32
        %scan3A_165 = arith.addi %scan3A_148, %scan3A_164 : i32
        %mul3A_166 = arith.constant 1 : i32
        %mul3A_167 = arith.muli %scan3A_165, %mul3A_166 : i32
        %add3A_168 = arith.constant 0 : i32
        %add3A_169 = arith.addi %add3A_168, %mul3A_167 : i32
        %broadcast_in_dim3A_170 = arith.constant 0 : i32
        %broadcast_in_dim3A_171 = vector.broadcast %broadcast_in_dim3A_170 : i32 to vector<16xi32>
        %add3A_172 = vector.broadcast %add3A_169 : i32 to vector<16xi32>
        %add3A_173 = arith.addi %broadcast_in_dim3A_171, %add3A_172 : vector<16xi32>
        %get3A_174 = arith.index_cast %add3A_169 : i32 to index
        %get3A_175 = arith.constant 0 : index
        %get3A_176 = tpu.vector_load %arg9[%get3A_174, %get3A_175] {strides = array<i32>} : memref<512x32xf32, #tpu.memory_space<vmem>>, vector<16xf32>,
        %add3A_177 = arith.addf %get3A_176, %get3A_124 : vector<16xf32>
        %get3A_178 = arith.index_cast %add3A_169 : i32 to index
        %get3A_179 = arith.constant 16 : index
        %get3A_180 = tpu.vector_load %arg9[%get3A_178, %get3A_179] {strides = array<i32>} : memref<512x32xf32, #tpu.memory_space<vmem>>, vector<16xf32>,
        %add3A_181 = arith.addf %get3A_180, %get3A_130 : vector<16xf32>
        tpu.vector_store_idx %arg11[%iota3A, %add3A_173], %add3A_177 : memref<32x515xf32, #tpu.memory_space<vmem>>[vector<16xi32>, vector<16xi32>], vector<16xf32>,
        tpu.vector_store_idx %arg11[%add3A_5, %add3A_173], %add3A_181 : memref<32x515xf32, #tpu.memory_space<vmem>>[vector<16xi32>, vector<16xi32>], vector<16xf32>,
        %scan3A_182 = arith.constant 2 : i32
        %scan3A_183 = arith.addi %scan3A_148, %scan3A_182 : i32
        %mul3A_184 = arith.constant 1 : i32
        %mul3A_185 = arith.muli %scan3A_183, %mul3A_184 : i32
        %add3A_186 = arith.constant 0 : i32
        %add3A_187 = arith.addi %add3A_186, %mul3A_185 : i32
        %broadcast_in_dim3A_188 = arith.constant 0 : i32
        %broadcast_in_dim3A_189 = vector.broadcast %broadcast_in_dim3A_188 : i32 to vector<16xi32>
        %add3A_190 = vector.broadcast %add3A_187 : i32 to vector<16xi32>
        %add3A_191 = arith.addi %broadcast_in_dim3A_189, %add3A_190 : vector<16xi32>
        %get3A_192 = arith.index_cast %add3A_187 : i32 to index
        %get3A_193 = arith.constant 0 : index
        %get3A_194 = tpu.vector_load %arg9[%get3A_192, %get3A_193] {strides = array<i32>} : memref<512x32xf32, #tpu.memory_space<vmem>>, vector<16xf32>,
        %add3A_195 = arith.addf %get3A_194, %get3A_124 : vector<16xf32>
        %get3A_196 = arith.index_cast %add3A_187 : i32 to index
        %get3A_197 = arith.constant 16 : index
        %get3A_198 = tpu.vector_load %arg9[%get3A_196, %get3A_197] {strides = array<i32>} : memref<512x32xf32, #tpu.memory_space<vmem>>, vector<16xf32>,
        %add3A_199 = arith.addf %get3A_198, %get3A_130 : vector<16xf32>
        tpu.vector_store_idx %arg11[%iota3A, %add3A_191], %add3A_195 : memref<32x515xf32, #tpu.memory_space<vmem>>[vector<16xi32>, vector<16xi32>], vector<16xf32>,
        tpu.vector_store_idx %arg11[%add3A_5, %add3A_191], %add3A_199 : memref<32x515xf32, #tpu.memory_space<vmem>>[vector<16xi32>, vector<16xi32>], vector<16xf32>,
        %scan3A_200 = arith.constant 3 : i32
        %scan3A_201 = arith.addi %scan3A_148, %scan3A_200 : i32
        %mul3A_202 = arith.constant 1 : i32
        %mul3A_203 = arith.muli %scan3A_201, %mul3A_202 : i32
        %add3A_204 = arith.constant 0 : i32
        %add3A_205 = arith.addi %add3A_204, %mul3A_203 : i32
        %broadcast_in_dim3A_206 = arith.constant 0 : i32
        %broadcast_in_dim3A_207 = vector.broadcast %broadcast_in_dim3A_206 : i32 to vector<16xi32>
        %add3A_208 = vector.broadcast %add3A_205 : i32 to vector<16xi32>
        %add3A_209 = arith.addi %broadcast_in_dim3A_207, %add3A_208 : vector<16xi32>
        %get3A_210 = arith.index_cast %add3A_205 : i32 to index
        %get3A_211 = arith.constant 0 : index
        %get3A_212 = tpu.vector_load %arg9[%get3A_210, %get3A_211] {strides = array<i32>} : memref<512x32xf32, #tpu.memory_space<vmem>>, vector<16xf32>,
        %add3A_213 = arith.addf %get3A_212, %get3A_124 : vector<16xf32>
        %get3A_214 = arith.index_cast %add3A_205 : i32 to index
        %get3A_215 = arith.constant 16 : index
        %get3A_216 = tpu.vector_load %arg9[%get3A_214, %get3A_215] {strides = array<i32>} : memref<512x32xf32, #tpu.memory_space<vmem>>, vector<16xf32>,
        %add3A_217 = arith.addf %get3A_216, %get3A_130 : vector<16xf32>
        tpu.vector_store_idx %arg11[%iota3A, %add3A_209], %add3A_213 : memref<32x515xf32, #tpu.memory_space<vmem>>[vector<16xi32>, vector<16xi32>], vector<16xf32>,
        tpu.vector_store_idx %arg11[%add3A_5, %add3A_209], %add3A_217 : memref<32x515xf32, #tpu.memory_space<vmem>>[vector<16xi32>, vector<16xi32>], vector<16xf32>,
        %scan3A_218 = arith.constant 4 : i32
        %scan3A_219 = arith.addi %scan3A_148, %scan3A_218 : i32
        %mul3A_220 = arith.constant 1 : i32
        %mul3A_221 = arith.muli %scan3A_219, %mul3A_220 : i32
        %add3A_222 = arith.constant 0 : i32
        %add3A_223 = arith.addi %add3A_222, %mul3A_221 : i32
        %broadcast_in_dim3A_224 = arith.constant 0 : i32
        %broadcast_in_dim3A_225 = vector.broadcast %broadcast_in_dim3A_224 : i32 to vector<16xi32>
        %add3A_226 = vector.broadcast %add3A_223 : i32 to vector<16xi32>
        %add3A_227 = arith.addi %broadcast_in_dim3A_225, %add3A_226 : vector<16xi32>
        %get3A_228 = arith.index_cast %add3A_223 : i32 to index
        %get3A_229 = arith.constant 0 : index
        %get3A_230 = tpu.vector_load %arg9[%get3A_228, %get3A_229] {strides = array<i32>} : memref<512x32xf32, #tpu.memory_space<vmem>>, vector<16xf32>,
        %add3A_231 = arith.addf %get3A_230, %get3A_124 : vector<16xf32>
        %get3A_232 = arith.index_cast %add3A_223 : i32 to index
        %get3A_233 = arith.constant 16 : index
        %get3A_234 = tpu.vector_load %arg9[%get3A_232, %get3A_233] {strides = array<i32>} : memref<512x32xf32, #tpu.memory_space<vmem>>, vector<16xf32>,
        %add3A_235 = arith.addf %get3A_234, %get3A_130 : vector<16xf32>
        tpu.vector_store_idx %arg11[%iota3A, %add3A_227], %add3A_231 : memref<32x515xf32, #tpu.memory_space<vmem>>[vector<16xi32>, vector<16xi32>], vector<16xf32>,
        tpu.vector_store_idx %arg11[%add3A_5, %add3A_227], %add3A_235 : memref<32x515xf32, #tpu.memory_space<vmem>>[vector<16xi32>, vector<16xi32>], vector<16xf32>,
        %scan3A_236 = arith.constant 5 : i32
        %scan3A_237 = arith.addi %scan3A_148, %scan3A_236 : i32
        %mul3A_238 = arith.constant 1 : i32
        %mul3A_239 = arith.muli %scan3A_237, %mul3A_238 : i32
        %add3A_240 = arith.constant 0 : i32
        %add3A_241 = arith.addi %add3A_240, %mul3A_239 : i32
        %broadcast_in_dim3A_242 = arith.constant 0 : i32
        %broadcast_in_dim3A_243 = vector.broadcast %broadcast_in_dim3A_242 : i32 to vector<16xi32>
        %add3A_244 = vector.broadcast %add3A_241 : i32 to vector<16xi32>
        %add3A_245 = arith.addi %broadcast_in_dim3A_243, %add3A_244 : vector<16xi32>
        %get3A_246 = arith.index_cast %add3A_241 : i32 to index
        %get3A_247 = arith.constant 0 : index
        %get3A_248 = tpu.vector_load %arg9[%get3A_246, %get3A_247] {strides = array<i32>} : memref<512x32xf32, #tpu.memory_space<vmem>>, vector<16xf32>,
        %add3A_249 = arith.addf %get3A_248, %get3A_124 : vector<16xf32>
        %get3A_250 = arith.index_cast %add3A_241 : i32 to index
        %get3A_251 = arith.constant 16 : index
        %get3A_252 = tpu.vector_load %arg9[%get3A_250, %get3A_251] {strides = array<i32>} : memref<512x32xf32, #tpu.memory_space<vmem>>, vector<16xf32>,
        %add3A_253 = arith.addf %get3A_252, %get3A_130 : vector<16xf32>
        tpu.vector_store_idx %arg11[%iota3A, %add3A_245], %add3A_249 : memref<32x515xf32, #tpu.memory_space<vmem>>[vector<16xi32>, vector<16xi32>], vector<16xf32>,
        tpu.vector_store_idx %arg11[%add3A_5, %add3A_245], %add3A_253 : memref<32x515xf32, #tpu.memory_space<vmem>>[vector<16xi32>, vector<16xi32>], vector<16xf32>,
        %scan3A_254 = arith.constant 6 : i32
        %scan3A_255 = arith.addi %scan3A_148, %scan3A_254 : i32
        %mul3A_256 = arith.constant 1 : i32
        %mul3A_257 = arith.muli %scan3A_255, %mul3A_256 : i32
        %add3A_258 = arith.constant 0 : i32
        %add3A_259 = arith.addi %add3A_258, %mul3A_257 : i32
        %broadcast_in_dim3A_260 = arith.constant 0 : i32
        %broadcast_in_dim3A_261 = vector.broadcast %broadcast_in_dim3A_260 : i32 to vector<16xi32>
        %add3A_262 = vector.broadcast %add3A_259 : i32 to vector<16xi32>
        %add3A_263 = arith.addi %broadcast_in_dim3A_261, %add3A_262 : vector<16xi32>
        %get3A_264 = arith.index_cast %add3A_259 : i32 to index
        %get3A_265 = arith.constant 0 : index
        %get3A_266 = tpu.vector_load %arg9[%get3A_264, %get3A_265] {strides = array<i32>} : memref<512x32xf32, #tpu.memory_space<vmem>>, vector<16xf32>,
        %add3A_267 = arith.addf %get3A_266, %get3A_124 : vector<16xf32>
        %get3A_268 = arith.index_cast %add3A_259 : i32 to index
        %get3A_269 = arith.constant 16 : index
        %get3A_270 = tpu.vector_load %arg9[%get3A_268, %get3A_269] {strides = array<i32>} : memref<512x32xf32, #tpu.memory_space<vmem>>, vector<16xf32>,
        %add3A_271 = arith.addf %get3A_270, %get3A_130 : vector<16xf32>
        tpu.vector_store_idx %arg11[%iota3A, %add3A_263], %add3A_267 : memref<32x515xf32, #tpu.memory_space<vmem>>[vector<16xi32>, vector<16xi32>], vector<16xf32>,
        tpu.vector_store_idx %arg11[%add3A_5, %add3A_263], %add3A_271 : memref<32x515xf32, #tpu.memory_space<vmem>>[vector<16xi32>, vector<16xi32>], vector<16xf32>,
        %scan3A_272 = arith.constant 7 : i32
        %scan3A_273 = arith.addi %scan3A_148, %scan3A_272 : i32
        %mul3A_274 = arith.constant 1 : i32
        %mul3A_275 = arith.muli %scan3A_273, %mul3A_274 : i32
        %add3A_276 = arith.constant 0 : i32
        %add3A_277 = arith.addi %add3A_276, %mul3A_275 : i32
        %broadcast_in_dim3A_278 = arith.constant 0 : i32
        %broadcast_in_dim3A_279 = vector.broadcast %broadcast_in_dim3A_278 : i32 to vector<16xi32>
        %add3A_280 = vector.broadcast %add3A_277 : i32 to vector<16xi32>
        %add3A_281 = arith.addi %broadcast_in_dim3A_279, %add3A_280 : vector<16xi32>
        %get3A_282 = arith.index_cast %add3A_277 : i32 to index
        %get3A_283 = arith.constant 0 : index
        %get3A_284 = tpu.vector_load %arg9[%get3A_282, %get3A_283] {strides = array<i32>} : memref<512x32xf32, #tpu.memory_space<vmem>>, vector<16xf32>,
        %add3A_285 = arith.addf %get3A_284, %get3A_124 : vector<16xf32>
        %get3A_286 = arith.index_cast %add3A_277 : i32 to index
        %get3A_287 = arith.constant 16 : index
        %get3A_288 = tpu.vector_load %arg9[%get3A_286, %get3A_287] {strides = array<i32>} : memref<512x32xf32, #tpu.memory_space<vmem>>, vector<16xf32>,
        %add3A_289 = arith.addf %get3A_288, %get3A_130 : vector<16xf32>
        tpu.vector_store_idx %arg11[%iota3A, %add3A_281], %add3A_285 : memref<32x515xf32, #tpu.memory_space<vmem>>[vector<16xi32>, vector<16xi32>], vector<16xf32>,
        tpu.vector_store_idx %arg11[%add3A_5, %add3A_281], %add3A_289 : memref<32x515xf32, #tpu.memory_space<vmem>>[vector<16xi32>, vector<16xi32>], vector<16xf32>,
      }
      %scan3A_135 = arith.constant 512 : i32
      %dma_start3A_136 = arith.constant 0 : i32
      %dma_start3A_137 = arith.constant 0 : i32
      %dma_start3A_138 = tpu.memref_slice %arg11[%dma_start3A_136, %dma_start3A_137] : memref<32x515xf32, #tpu.memory_space<vmem>> -> memref<32x512xf32, #tpu.memory_space<vmem>>
      %dma_start3A_139 = arith.constant 0 : i32
      %dma_start3A_140 = tpu.memref_slice %arg5[%add3A_98, %dma_start3A_139, %mul3A_2] : memref<200x32x16384xf32, #tpu.memory_space<hbm>> -> memref<1x32x512xf32, #tpu.memory_space<hbm>>
      %dma_start3A_141 = tpu.memref_squeeze %dma_start3A_140 : memref<1x32x512xf32, #tpu.memory_space<hbm>> -> memref<32x512xf32, #tpu.memory_space<hbm>>
      %dma_start3A_142 = arith.constant 0 : i32
      %dma_start3A_143 = tpu.memref_slice %arg5[%add3A_98, %dma_start3A_142, %mul3A_2] : memref<200x32x16384xf32, #tpu.memory_space<hbm>> -> memref<1x32x512xf32, #tpu.memory_space<hbm>>
      %dma_start3A_144 = tpu.memref_squeeze %dma_start3A_143 : memref<1x32x512xf32, #tpu.memory_space<hbm>> -> memref<32x512xf32, #tpu.memory_space<hbm>>
      %dma_start3A_145 = arith.constant 0 : i32
      %dma_start3A_146 = arith.constant 0 : i32
      %dma_start3A_147 = tpu.memref_slice %arg11[%dma_start3A_145, %dma_start3A_146] : memref<32x515xf32, #tpu.memory_space<vmem>> -> memref<32x512xf32, #tpu.memory_space<vmem>>
      tpu.enqueue_dma source(%dma_start3A_147 : memref<32x512xf32, #tpu.memory_space<vmem>>) target(%dma_start3A_144 : memref<32x512xf32, #tpu.memory_space<hbm>>) target_semaphore(%arg18 : memref<!tpu.dma_semaphore, #tpu.memory_space<semaphore_mem>>)
    }
    %scan3A_16 = arith.constant 100 : i32
    %dma_wait3A = arith.constant 198 : i32
    %dma_wait3A_17 = arith.constant 0 : i32
    %dma_wait3A_18 = arith.constant 0 : i32
    %dma_wait3A_19 = tpu.memref_slice %arg10[%dma_wait3A_17, %dma_wait3A_18] : memref<32x515xf32, #tpu.memory_space<vmem>> -> memref<32x512xf32, #tpu.memory_space<vmem>>
    %dma_wait3A_20 = arith.constant 0 : i32
    %dma_wait3A_21 = tpu.memref_slice %arg5[%dma_wait3A, %dma_wait3A_20, %mul3A_2] : memref<200x32x16384xf32, #tpu.memory_space<hbm>> -> memref<1x32x512xf32, #tpu.memory_space<hbm>>
    %dma_wait3A_22 = tpu.memref_squeeze %dma_wait3A_21 : memref<1x32x512xf32, #tpu.memory_space<hbm>> -> memref<32x512xf32, #tpu.memory_space<hbm>>
    %dma_wait3A_23 = arith.constant 0 : i32
    %dma_wait3A_24 = tpu.memref_slice %arg5[%dma_wait3A, %dma_wait3A_23, %mul3A_2] : memref<200x32x16384xf32, #tpu.memory_space<hbm>> -> memref<1x32x512xf32, #tpu.memory_space<hbm>>
    %dma_wait3A_25 = tpu.memref_squeeze %dma_wait3A_24 : memref<1x32x512xf32, #tpu.memory_space<hbm>> -> memref<32x512xf32, #tpu.memory_space<hbm>>
    %dma_wait3A_26 = arith.constant 0 : i32
    %dma_wait3A_27 = arith.constant 0 : i32
    %dma_wait3A_28 = tpu.memref_slice %arg10[%dma_wait3A_26, %dma_wait3A_27] : memref<32x515xf32, #tpu.memory_space<vmem>> -> memref<32x512xf32, #tpu.memory_space<vmem>>
    tpu.wait_dma2 semaphore(%arg17 : memref<!tpu.dma_semaphore, #tpu.memory_space<semaphore_mem>>) src(%dma_wait3A_28 : memref<32x512xf32, #tpu.memory_space<vmem>>) dst(%dma_wait3A_25 : memref<32x512xf32, #tpu.memory_space<hbm>>)
    %dma_wait3A_29 = arith.constant 199 : i32
    %dma_wait3A_30 = arith.constant 0 : i32
    %dma_wait3A_31 = arith.constant 0 : i32
    %dma_wait3A_32 = tpu.memref_slice %arg11[%dma_wait3A_30, %dma_wait3A_31] : memref<32x515xf32, #tpu.memory_space<vmem>> -> memref<32x512xf32, #tpu.memory_space<vmem>>
    %dma_wait3A_33 = arith.constant 0 : i32
    %dma_wait3A_34 = tpu.memref_slice %arg5[%dma_wait3A_29, %dma_wait3A_33, %mul3A_2] : memref<200x32x16384xf32, #tpu.memory_space<hbm>> -> memref<1x32x512xf32, #tpu.memory_space<hbm>>
    %dma_wait3A_35 = tpu.memref_squeeze %dma_wait3A_34 : memref<1x32x512xf32, #tpu.memory_space<hbm>> -> memref<32x512xf32, #tpu.memory_space<hbm>>
    %dma_wait3A_36 = arith.constant 0 : i32
    %dma_wait3A_37 = tpu.memref_slice %arg5[%dma_wait3A_29, %dma_wait3A_36, %mul3A_2] : memref<200x32x16384xf32, #tpu.memory_space<hbm>> -> memref<1x32x512xf32, #tpu.memory_space<hbm>>
    %dma_wait3A_38 = tpu.memref_squeeze %dma_wait3A_37 : memref<1x32x512xf32, #tpu.memory_space<hbm>> -> memref<32x512xf32, #tpu.memory_space<hbm>>
    %dma_wait3A_39 = arith.constant 0 : i32
    %dma_wait3A_40 = arith.constant 0 : i32
    %dma_wait3A_41 = tpu.memref_slice %arg11[%dma_wait3A_39, %dma_wait3A_40] : memref<32x515xf32, #tpu.memory_space<vmem>> -> memref<32x512xf32, #tpu.memory_space<vmem>>
    tpu.wait_dma2 semaphore(%arg18 : memref<!tpu.dma_semaphore, #tpu.memory_space<semaphore_mem>>) src(%dma_wait3A_41 : memref<32x512xf32, #tpu.memory_space<vmem>>) dst(%dma_wait3A_38 : memref<32x512xf32, #tpu.memory_space<hbm>>)
    return
  }
}

</mosaic_0001>

<sc_bundles>
// kernel: _embed.3.cloned.1.call-start
scs
__scs_entry_jumppad:
0x0: {  	(pc) =	sbr.rel $0x88, $3  }
0x1: {  	(tag) =	ssettag $0x0;
	lr =	simm.s32 $0x1  }
0x2: {  	[smem:$0x3F9E] =	sst lr;
	_ =	strace $0xD0000000  }
0x3: {  	_ = 	snop  }
0x4: {  	_ = 	snop  }
0x5: {  	_ = 	snop  }
0x6: {  	_ = 	snop  }
0x7: {  	_ = 	snop  }
__scs_overlays_trampoline_lowered:
0x8: {  	[smem:$0x3FAD] =	sst s0  }
0x9: {  	[smem:$0x3FAE] =	sst s1  }
0xa: {  	[smem:$0x3FAF] =	sst s2  }
0xb: {  	[smem:$0x3FB0] =	sst s3  }
0xc: {  	[smem:$0x3FB1] =	sst s4  }
0xd: {  	[smem:$0x3FB2] =	sst s5  }
0xe: {  	[smem:$0x3FB3] =	sst s6  }
0xf: {  	[smem:$0x3FB4] =	sst s7  }
0x10: {  	[smem:$0x3FB5] =	sst s8  }
0x11: {  	[smem:$0x3FB6] =	sst s9;
	s0 =	simm.s32 @!p0 $0x0  }
0x12: {  	s1 =	sld [smem:$0x3F9C];
	s0 =	simm.s32 @p0 $0x1  }
0x13: {  	[smem:$0x3FB7] =	sst s0;
	s0 =	simm.s32 @!p1 $0x0  }
0x14: {  	s2 =	sld [smem:$0x3F9B];
	s0 =	simm.s32 @p1 $0x1  }
0x15: {  	[smem:$0x3FB8] =	sst s0;
	s0 =	simm.s32 @!p2 $0x0  }
0x16: {  	s3 =	sld [smem:$0x3FDB];
	s0 =	simm.s32 @p2 $0x1  }
0x17: {  	s4 =	simm.s32 $0x1BF5;
	[smem:$0x3FBA] =	sst s0  }
0x18: {  	s0 =	sld [smem:$0x3F9D];
	_ =	swait.ge [sflag:s4], $0x0  }
0x19: {  	s7 =	sld [smem:$0x3F9E]  }
0x1a: {  	s8 =	sadd.s32 $0xFFFFE003, lr  }
0x1b: {  	s9 =	sadd.s32 $0xFFFFFEF7, lr;
	s5 =	simm.s32 $0xFFFFFFFF;
	p2 =	slt.u32 s8, $0xFFFFF086  }
0x1c: {  	p1 =	slt.u32 s9, $0xF7A;
	s5 =	simm.s32 @!p2 $0x0  }
0x1d: {  	s5 =	simm.s32 @p1 $0x1;
	p0 =	seq.s32 s7, s2  }
0x1e: {  	s7 =	smul.u32 @!p0 $0xF7A, s2;
	p2 =	seq.s32 @!p0 s5, $0x0  }
0x1f: {  	s9 =	smul.u32 $0xF7A, s1;
	s8 =	simm.s32 @!p0 $0x1BF5;
	p2 =	por !p2, p0  }
0x20: {  	[sflag:s8] =	ssyncset.s32 @!p0 $0xFFFFF086;
	s6 =	sadd.s32 @!p0 s3, s7;
	s7 =	simm.s32 @!p0 $0x108  }
0x21: {  	s3 =	sadd.s32 s3, s9;
	s6 =	sadd.s32 @!p0 $0x88, s6;
	s7 =	simm.s32 @p2 $0x1082  }
0x22: {  	[simem:s7], [sflag:s8] =	dma.local @!p0 [hbm:s6], $0xF7A  }
0x23: {  	s9 =	sor.u32 $0xD0000000, s2;
	s6 =	simm.s32 $0x108;
	_ =	swait.ge @!p0 [sflag:s8], $0x0  }
0x24: {  	s3 =	sadd.s32 $0x88, s3;
	s6 =	simm.s32 @!p1 $0x1082;
	[sflag:s4] =	ssyncset.s32 $0xFFFFF086  }
0x25: {  	[simem:s6], [sflag:s4] =	dma.local [hbm:s3], $0xF7A  }
0x26: {  	[smem:$0x3F9E] =	sst s1;
	(tag) =	ssettag s2;
	_ =	strace s9  }
0x27: {  	s1 =	sld [smem:$0x3FAE]  }
0x28: {  	s2 =	sld [smem:$0x3FAF]  }
0x29: {  	s4 =	sld [smem:$0x3FB1]  }
0x2a: {  	p0 =	seq.s32 s5, $0x0;
	s5 =	sld [smem:$0x3FB2]  }
0x2b: {  	s6 =	sld [smem:$0x3FB3]  }
0x2c: {  	s7 =	sld [smem:$0x3FB4]  }
0x2d: {  	s3 =	simm.s32 $0x108;
	s8 =	sld [smem:$0x3FB5]  }
0x2e: {  	s3 =	simm.s32 @!p0 $0x1082;
	s9 =	sld [smem:$0x3FB6]  }
0x2f: {  	lr =	sadd.s32 s0, s3;
	s0 =	sld [smem:$0x3FAD]  }
0x30: {  	s3 =	sld [smem:$0x3FB0]  }
0x31: {  	[smem:$0x3FB9] =	sst s10  }
0x32: {  	s10 =	sld [smem:$0x3FB7];
	_ =	sdelay $0x3  }
0x33: {  	p0 =	seq.s32 s10, $0x1;
	s10 =	sld [smem:$0x3FB9];
	_ =	sdelay $0x3  }
0x34: {  	[smem:$0x3FB9] =	sst s10  }
0x35: {  	s10 =	sld [smem:$0x3FB8];
	_ =	sdelay $0x3  }
0x36: {  	p1 =	seq.s32 s10, $0x1;
	s10 =	sld [smem:$0x3FB9];
	_ =	sdelay $0x3  }
0x37: {  	[smem:$0x3FB9] =	sst s10  }
0x38: {  	s10 =	sld [smem:$0x3FBA]  }
0x39: {  	_ = 	snop;
	(pc) =	sbr.ind lr, $3  }
0x3a: {  	_ = 	snop  }
0x3b: {  	_ = 	snop  }
0x3c: {  	p2 =	seq.s32 s10, $0x1;
	s10 =	sld [smem:$0x3FB9]  }
0x3d: {  	_ =	shalt  }
0x3e: {  	_ =	shalt  }
0x3f: {  	_ =	shalt  }
0x40: {  	_ =	shalt  }
0x41: {  	_ =	shalt  }
0x42: {  	_ =	shalt  }
0x43: {  	_ =	shalt  }
0x44: {  	_ =	shalt  }
0x45: {  	_ =	shalt  }
0x46: {  	_ =	shalt  }
0x47: {  	_ =	shalt  }
0x48: {  	_ =	shalt  }
0x49: {  	_ =	shalt  }
0x4a: {  	_ =	shalt  }
0x4b: {  	_ =	shalt  }
0x4c: {  	_ =	shalt  }
0x4d: {  	_ =	shalt  }
0x4e: {  	_ =	shalt  }
0x4f: {  	_ =	shalt  }
0x50: {  	_ =	shalt  }
0x51: {  	_ =	shalt  }
0x52: {  	_ =	shalt  }
0x53: {  	_ =	shalt  }
0x54: {  	_ =	shalt  }
0x55: {  	_ =	shalt  }
0x56: {  	_ =	shalt  }
0x57: {  	_ =	shalt  }
0x58: {  	_ =	shalt  }
0x59: {  	_ =	shalt  }
0x5a: {  	_ =	shalt  }
0x5b: {  	_ =	shalt  }
0x5c: {  	_ =	shalt  }
0x5d: {  	_ =	shalt  }
0x5e: {  	_ =	shalt  }
0x5f: {  	_ =	shalt  }
0x60: {  	_ =	shalt  }
0x61: {  	_ =	shalt  }
0x62: {  	_ =	shalt  }
0x63: {  	_ =	shalt  }
0x64: {  	_ =	shalt  }
0x65: {  	_ =	shalt  }
0x66: {  	_ =	shalt  }
0x67: {  	_ =	shalt  }
0x68: {  	_ =	shalt  }
0x69: {  	_ =	shalt  }
0x6a: {  	_ =	shalt  }
0x6b: {  	_ =	shalt  }
0x6c: {  	_ =	shalt  }
0x6d: {  	_ =	shalt  }
0x6e: {  	_ =	shalt  }
0x6f: {  	_ =	shalt  }
0x70: {  	_ =	shalt  }
0x71: {  	_ =	shalt  }
0x72: {  	_ =	shalt  }
0x73: {  	_ =	shalt  }
0x74: {  	_ =	shalt  }
0x75: {  	_ =	shalt  }
0x76: {  	_ =	shalt  }
0x77: {  	_ =	shalt  }
0x78: {  	_ =	shalt  }
0x79: {  	_ =	shalt  }
0x7a: {  	_ =	shalt  }
0x7b: {  	_ =	shalt  }
0x7c: {  	_ =	shalt  }
0x7d: {  	_ =	shalt  }
0x7e: {  	_ =	shalt  }
0x7f: {  	_ =	shalt  }
0x80: {  	_ =	shalt  }
0x81: {  	_ =	shalt  }
0x82: {  	_ =	shalt  }
0x83: {  	_ =	shalt  }
0x84: {  	_ =	shalt  }
0x85: {  	_ =	shalt  }
0x86: {  	_ =	shalt  }
0x87: {  	_ =	shalt  }
.Lfunc_end0:
.L_simem_size_0:
called_computation_lowered:
.L_overlay_start_0:
0x88: {  	s2 =	sld [smem:$0x3FD9]  }
0x89: {  	s3 =	sld [smem:$0x3FFE];
	_ =	sdelay $0x1  }
0x8a: {  	s1 =	srdreg.scid  }
0x8b: {  	s0 =	sand.u32 $0x1, s1  }
0x8c: {  	s17 =	sshll.u32 s0, $0xA;
	s2 =	sadd.s32 s3, s2  }
0x8d: {  	s2 =	sadd.s32 s2, s17  }
0x8e: {  	[smem:$0x3FC5] =	sst s2  }
0x8f: {  	_ = 	snop  }
0x90: {  	s2 =	sld [smem:$0x3FC7];
	(tm) =	ssettm $0x1  }
0x91: {  	s18 =	sld [smem:$0x3FFB];
	_ =	sdelay $0x3  }
0x92: {  	_ =	strace s18  }
0x93: {  	s3 =	sld [smem:$0x3FFC];
	_ =	sdelay $0x3  }
0x94: {  	_ =	strace s3  }
0x95: {  	s3 =	sld [smem:$0x3FFD];
	_ =	sdelay $0x3  }
0x96: {  	_ =	strace s3  }
0x97: {  	_ =	strace $0x8FFFFFFF  }
0x98: {  	s19 =	sld [smem:$0x3FDB];
	_ =	sdelay $0x1  }
0x99: {  	s4 =	simm.s32 $_scs_section_size  }
0x9a: {  	s5 =	simm.s32 $_size__tile_overlayer_lowered;
	s6 =	simm.s32 $_tile_overlayer_lowered  }
0x9b: {  	s22 =	simm.s32 $0x1BFF;
	s21 =	sshll.u32 s6, $0x1;
	s3 =	sadd.s32 s4, s19  }
0x9c: {  	s7 =	simm.s32 $0x0;
	s20 =	sshll.u32 s5, $0x1;
	s5 =	sadd.s32 s21, s3  }
0x9d: {  	[timem:s7], [sflag:s22] =	dma.local [hbm:s5], s20  }
0x9e: {  	_ =	swait.ge [sflag:s22], s20  }
0x9f: {  	s4 =	ssub.s32 $0x0, s20;
	[sflag:s22] =	ssyncset.done $0x0  }
0xa0: {  	[sflag:s22] =	ssyncadd.s32 s4;
	_ =	sdelay $0x1  }
0xa1: {  	s23 =	simm.s32 $0x1B8B  }
0xa2: {  	_ =	swait.ge [sflag:s23], $0x1  }
0xa3: {  	[sflag:s23] =	ssyncset.done $0x0  }
0xa4: {  	s25 =	simm.s32 $0x1B8E;
	s24 =	sld [smem:$0x3FFE];
	[sflag:s23] =	ssyncadd.s32 $0xFFFFFFFF  }
0xa5: {  	s26 =	simm.s32 $execute0_lowered;
	[smem:$0x3FD2] =	sst s25  }
0xa6: {  	s5 =	sshll.u32 s26, $0x1;
	_ =	strace $0x80000046;
	[dreg:$0x1] =	wrdreg $0xFFFFFFFF  }
0xa7: {  	s28 =	simm.s32 $_size_execute0_lowered;
	s3 =	sadd.s32 s3, s5;
	[dreg:$0x0] =	wrdreg $0x0  }
0xa8: {  	s5 =	sshll.u32 s28, $0x1;
	[dreg:$0x2] =	wrdreg s3  }
0xa9: {  	[dreg:$0x3] =	wrdreg s5  }
0xaa: {  	[dreg:$0x4] =	wrdreg $0xC0  }
0xab: {  	_ =	task [dreg:s7], $0x5FFFF  }
0xac: {  	[dreg:$0x1] =	wrdreg $0xFFFFFFFF  }
0xad: {  	[dreg:$0x0] =	wrdreg $0x60  }
0xae: {  	[dreg:$0x2] =	wrdreg s24  }
0xaf: {  	[dreg:$0x3] =	wrdreg s2  }
0xb0: {  	[dreg:$0x4] =	wrdreg $0x9  }
0xb1: {  	_ =	task.clear_ibuf [dreg:s7], $0x5FFFF;
	_ =	strace $0x90000046  }
0xb2: {  	s29 =	simm.s32 $0x9;
	_ =	strace $0x80000048  }
0xb3: {  	_ =	swait.ge [sflag:s29], $0x1  }
0xb4: {  	[sflag:s29] =	ssyncadd.s32 $0xFFFFFFFF  }
0xb5: {  	_ =	strace $0x90000048  }
0xb6: {  	_ =	sfence  }
0xb7: {  	s30 =	sld [smem:$0x0];
	_ =	sdelay $0x2  }
0xb8: {  	s31 =	sshll.u32 s1, $0xD;
	s1 =	sshrl.u32 s1, $0x2  }
0xb9: {  	s3 =	sand.u32 $0x4000, s31;
	s1 =	sadd.s32 s1, s30  }
0xba: {  	s0 =	sor.u32 s3, s0;
	s1 =	sshll.u32 s1, $0x11  }
0xbb: {  	s0 =	sor.u32 s1, s0  }
0xbc: {  	s0 =	sadd.s32 $0x8F2B, s0  }
0xbd: {  	[sflag:s0] =	ssyncadd.remote.s32 $0x1  }
0xbe: {  	_ =	sfence.sel $0xFFFF  }
0xbf: {  	[dreg:$0x0] =	wrdreg $0xFFFFFFFF;
	(pc) =	sbr.abs _section_cstart, $3  }
0xc0: {  	[dreg:$0x1] =	wrdreg $0xFFFFFFFF  }
0xc1: {  	_ =	task.clear_ibuf [dreg:s7], $0x2FFFF;
	_ =	strace $0x9FFFFFFF  }
0xc2: {  	(tm) =	ssettm $0x7FFFFFFF  }
0xc3: {  	_ =	shalt  }
tec
execute0_lowered:
.L_overlay_start_1:
0x0: {  	(tag) =	ssettag $0x1  }
0x1: {  	s0 =	rddreg [dreg:$0x0];
	s3 =	simm.s32 $0x0;
	s1 =	srdreg.scid  }
0x2: {  	s2 =	stileid.u32;
	s13 =	simm.s32 $0x10600;
	s14 =	simm.s32 $0x7  }
0x3: {  	s15 =	simm.s32 $0x200;
	s16 =	simm.s32 $0x400;
	s17 =	simm.s32 $0x2  }
0x4: {  	s18 =	simm.s32 $0x4400;
	s19 =	simm.s32 $0x3;
	s20 =	simm.s32 $0x8400  }
0x5: {  	v0 =	vlaneseq.u32;
	s21 =	simm.s32 $0x4;
	s22 =	simm.s32 $0x6;
	s23 =	simm.s32 $0xC500  }
0x6: {  	v1 =	vimm.s32 $0x0;
	vm0 =	vcmask $0x300;
	s24 =	simm.s32 $0x5;
	s25 =	simm.s32 $0x1;
	s26 =	simm.s32 $0x0;
	v0 =	vmul.u32 $0x208, v0  }
0x7: {  	[smem:$0x7FF] =	sst s3;
	s1 =	sand.u32 $0x1, s1;
	s2 =	sshll.u32 s2, $0xA;
	v1 =	vsel vm0, $0x3, v1  }
0x8: {  	s4 =	sadd.s32 $0x600, s0;
	s6 =	sadd.s32 $0x64600, s0;
	s5 =	sshll.u32 s1, $0x9;
	v2 =	vadd.s32 $0x2080, v0;
	v3 =	vor.u32 $0x1, v0;
	v4 =	vadd.s32 $0x2081, v0  }
0x9: {  	s7 =	sadd.s32 $0xC6200, s0;
	s1 =	ssub.s32 $0x2, s1;
	s5 =	sor.u32 s5, s2;
	v5 =	vor.u32 $0x2, v0;
	v6 =	vadd.s32 $0x2082, v0;
	v7 =	vor.u32 $0x3, v0  }
0xa: {  	_ =	strace $0x80000047;
	s30 =	sshrl.u32 s1, $0x1;
	v8 =	vadd.s32 $0x2083, v0;
	v9 =	vor.u32 $0x4, v0;
	v10 =	vadd.s32 $0x2084, v0;
	s8 =	sshrl.u32 s5, $0x3  }
0xb: {  	v11 =	vor.u32 $0x5, v0;
	v12 =	vadd.s32 $0x2085, v0;
	v13 =	vor.u32 $0x6, v0;
	s31 =	ssub.s32 s1, s30;
	s10 =	sor.u32 $0x8000, s5;
	s8 =	sadd.s32 s4, s8  }
0xc: {  	v14 =	vadd.s32 $0x2086, v0;
	v15 =	vor.u32 $0x7, v0;
	v16 =	vadd.s32 $0x2087, v0;
	s11 =	sor.u32 $0xC000, s5;
	s12 =	smax.u32 s31, $0x1;
	s9 =	sadd.s32 $0x800, s8  }
.LBB2_1:
0xd: {  	s0 =	rddreg [dreg:$0x1]  }
0xe: {  	[tilespmem:s13], [sflag:$0x7] =	stream.linear.gather [hbm4b:s0+s3], $0x1900, $0x38;
	[tilespmem:$0x11F00] =	vst v63  }
0xf: {  	_ =	swait.ge [sflag:s14], $0x1900  }
0x10: {  	[sflag:s14] =	ssyncset.done $0x0  }
0x11: {  	[sflag:s14] =	ssyncadd.s32 $0xFFFFE700  }
0x12: {  	[tilespmem:s3], [sflag:$0x7] =	stream.linear.gather [hbm4b:s8+s3], $0x200, $0x38;
	[tilespmem:$0x11F00] =	vst v63  }
0x13: {  	_ =	swait.ge [sflag:s14], $0x200  }
0x14: {  	[sflag:s14] =	ssyncset.done $0x0  }
0x15: {  	[sflag:s14] =	ssyncadd.s32 $0xFFFFFE00  }
0x16: {  	[tilespmem:s15], [sflag:$0x2] =	stream.linear.gather [hbm4b:s9+s3], $0x200, $0x38;
	[tilespmem:$0x11F00] =	vst v63  }
0x17: {  	s28 =	simm.s32 $0x0  }
0x18: {  	[tilespmem:s16], [sflag:$0x3] =	stream.indirect.gather [hbm4b:s6+s15], $0x20, s3, s15, $0xb8;
	[tilespmem:$0x11F00] =	vst v63  }
.LBB2_2:
0x19: {  	_ =	swait.ge [sflag:s17], $0x200;
	p0 =	seq.s32 s28, $0x63  }
0x1a: {  	[sflag:s17] =	ssyncset.done $0x0;
	p1 =	seq.s32 @!p0 s28, $0x0  }
0x1b: {  	[sflag:s17] =	ssyncadd.s32 $0xFFFFFE00;
	p1 =	por p0, !p1  }
0x1c: {  	[tilespmem:s18], [sflag:$0x4] =	stream.indirect.gather [hbm4b:s6+s15], $0x20, s15, s15, $0xb8;
	[tilespmem:$0x11F00] =	vst v63  }
.Ltmp0:
0x1d: {  	s0 =	sshll.u32 @!p0 s28, $0xF;
	(pc) =	sbr.rel @!p1 .LBB2_3-.Ltmp0, $4  }
0x1e: {  	s0 =	sadd.s32 @!p0 s10, s0;
	_ =	swait.ge [sflag:s19], $0x4000  }
0x1f: {  	s0 =	sshrl.u32 @!p0 s0, $0x3;
	[sflag:s19] =	ssyncset.done $0x0  }
0x20: {  	s1 =	simm.s32 @!p0 $0x0;
	s0 =	sadd.s32 @!p0 s4, s0;
	[sflag:s19] =	ssyncadd.s32 $0xFFFFC000  }
0x21: {  	[tilespmem:s1], [sflag:$0x1] =	stream.linear.gather @!p0 [hbm4b:s0+s1], $0x200, $0x38;
	[tilespmem:$0x11F00] =	vst v63  }
.Ltmp1:
0x22: {  	(pc) =	sbr.rel .LBB2_5-.Ltmp1, $4  }
0x23: {  	_ = 	snop  }
0x24: {  	_ =	swait.ge [sflag:s24], $0x4000  }
0x25: {  	[sflag:s24] =	ssyncset.done $0x0  }
0x26: {  	p0 =	por $0x0, $0x0;
	[sflag:s24] =	ssyncadd.s32 $0xFFFFC000  }
.LBB2_3:
0x27: {  	p0 =	por @!p0 $0x1, $0x1  }
.LBB2_5:
0x28: {  	s1 =	simm.s32 $0x0  }
0x29: {  	s30 =	simm.s32 $0x480;
	v18 =	vmov s1  }
0x2a: {  	s0 =	sshll.u32 s28, $0x6;
	v20 =	vld [tilespmem:s30+$0xFFFFFF80];
	v19 =	vshrl.u32 v18, $0x3  }
0x2b: {  	s0 =	sand.u32 $0x3FFFFFC0, s0;
	v21 =	vld [tilespmem:s30+$0xFFFFFF90];
	v19 =	vshll.u32 v19, v1  }
0x2c: {  	v17 =	vld [tilespmem:s0+$0x10600];
	v19 =	vbroadcast v19, $0x0  }
0x2d: {  	v18 =	vld [tilespmem:s0+$0x10610]  }
0x2e: {  	v22 =	vadd.s32 v0, v19  }
0x2f: {  	v19 =	vadd.s32 v2, v19;
	_ =	sdelay $0x1  }
0x30: {  	s2 =	simm.s32 $0x1;
	v20 =	vadd.f32 v20, v17  }
0x31: {  	v23 =	vmov s2;
	v21 =	vadd.f32 v21, v18  }
0x32: {  	[tilespmem:v22+s20+$0x0] =	vst.idx.msk $0xffff, v20;
	v20 =	vshrl.u32 v23, $0x3  }
0x33: {  	[tilespmem:v19+s20+$0x0] =	vst.idx.msk $0xffff, v21;
	v19 =	vshll.u32 v20, v1  }
0x34: {  	v20 =	vld [tilespmem:s30+$0xFFFFFFA0];
	v19 =	vbroadcast v19, $0x0  }
0x35: {  	v21 =	vld [tilespmem:s30+$0xFFFFFFB0]  }
0x36: {  	v22 =	vadd.s32 v3, v19  }
0x37: {  	v19 =	vadd.s32 v4, v19;
	_ =	sdelay $0x1  }
0x38: {  	s1 =	simm.s32 $0x2;
	v20 =	vadd.f32 v20, v17  }
0x39: {  	v23 =	vmov s1;
	v21 =	vadd.f32 v21, v18  }
0x3a: {  	[tilespmem:v22+s20+$0x0] =	vst.idx.msk $0xffff, v20;
	v20 =	vshrl.u32 v23, $0x3  }
0x3b: {  	[tilespmem:v19+s20+$0x0] =	vst.idx.msk $0xffff, v21;
	v19 =	vshll.u32 v20, v1  }
0x3c: {  	v20 =	vld [tilespmem:s30+$0xFFFFFFC0];
	v19 =	vbroadcast v19, $0x0  }
0x3d: {  	v21 =	vld [tilespmem:s30+$0xFFFFFFD0]  }
0x3e: {  	v22 =	vadd.s32 v5, v19  }
0x3f: {  	v19 =	vadd.s32 v6, v19;
	_ =	sdelay $0x1  }
0x40: {  	s2 =	simm.s32 $0x3;
	v20 =	vadd.f32 v20, v17  }
0x41: {  	v23 =	vmov s2;
	v21 =	vadd.f32 v21, v18  }
0x42: {  	[tilespmem:v22+s20+$0x0] =	vst.idx.msk $0xffff, v20;
	v20 =	vshrl.u32 v23, $0x3  }
0x43: {  	[tilespmem:v19+s20+$0x0] =	vst.idx.msk $0xffff, v21;
	v19 =	vshll.u32 v20, v1  }
0x44: {  	v20 =	vld [tilespmem:s30+$0xFFFFFFE0];
	v19 =	vbroadcast v19, $0x0  }
0x45: {  	v21 =	vld [tilespmem:s30+$0xFFFFFFF0]  }
0x46: {  	v22 =	vadd.s32 v7, v19  }
0x47: {  	v19 =	vadd.s32 v8, v19;
	_ =	sdelay $0x1  }
0x48: {  	s1 =	simm.s32 $0x4;
	v20 =	vadd.f32 v20, v17  }
0x49: {  	v23 =	vmov s1;
	v21 =	vadd.f32 v21, v18  }
0x4a: {  	[tilespmem:v22+s20+$0x0] =	vst.idx.msk $0xffff, v20;
	v20 =	vshrl.u32 v23, $0x3  }
0x4b: {  	[tilespmem:v19+s20+$0x0] =	vst.idx.msk $0xffff, v21;
	v19 =	vshll.u32 v20, v1  }
0x4c: {  	v20 =	vld [tilespmem:s30+$0x0];
	v19 =	vbroadcast v19, $0x0  }
0x4d: {  	v21 =	vld [tilespmem:s30+$0x10]  }
0x4e: {  	v22 =	vadd.s32 v9, v19  }
0x4f: {  	v19 =	vadd.s32 v10, v19;
	_ =	sdelay $0x1  }
0x50: {  	s2 =	simm.s32 $0x5;
	v20 =	vadd.f32 v20, v17  }
0x51: {  	v23 =	vmov s2;
	v21 =	vadd.f32 v21, v18  }
0x52: {  	[tilespmem:v22+s20+$0x0] =	vst.idx.msk $0xffff, v20;
	v20 =	vshrl.u32 v23, $0x3  }
0x53: {  	[tilespmem:v19+s20+$0x0] =	vst.idx.msk $0xffff, v21;
	v19 =	vshll.u32 v20, v1  }
0x54: {  	v20 =	vld [tilespmem:s30+$0x20];
	v19 =	vbroadcast v19, $0x0  }
0x55: {  	v21 =	vld [tilespmem:s30+$0x30]  }
0x56: {  	v22 =	vadd.s32 v11, v19  }
0x57: {  	v19 =	vadd.s32 v12, v19;
	_ =	sdelay $0x1  }
0x58: {  	s1 =	simm.s32 $0x6;
	v20 =	vadd.f32 v20, v17  }
0x59: {  	v23 =	vmov s1;
	v21 =	vadd.f32 v21, v18  }
0x5a: {  	[tilespmem:v22+s20+$0x0] =	vst.idx.msk $0xffff, v20;
	v20 =	vshrl.u32 v23, $0x3  }
0x5b: {  	[tilespmem:v19+s20+$0x0] =	vst.idx.msk $0xffff, v21;
	v19 =	vshll.u32 v20, v1  }
0x5c: {  	v20 =	vld [tilespmem:s30+$0x40];
	v19 =	vbroadcast v19, $0x0  }
0x5d: {  	v21 =	vld [tilespmem:s30+$0x50]  }
0x5e: {  	v22 =	vadd.s32 v13, v19  }
0x5f: {  	v19 =	vadd.s32 v14, v19;
	_ =	sdelay $0x1  }
0x60: {  	s2 =	simm.s32 $0x7;
	v20 =	vadd.f32 v20, v17  }
0x61: {  	v23 =	vmov s2;
	v21 =	vadd.f32 v21, v18  }
0x62: {  	[tilespmem:v22+s20+$0x0] =	vst.idx.msk $0xffff, v20;
	v20 =	vshrl.u32 v23, $0x3  }
0x63: {  	[tilespmem:v19+s20+$0x0] =	vst.idx.msk $0xffff, v21;
	v19 =	vshll.u32 v20, v1  }
0x64: {  	v20 =	vld [tilespmem:s30+$0x60];
	v19 =	vbroadcast v19, $0x0;
	_ =	sdelay $0x1  }
0x65: {  	v21 =	vld [tilespmem:s30+$0x70];
	v22 =	vadd.s32 v15, v19;
	_ =	sdelay $0x1  }
0x66: {  	v19 =	vadd.s32 v16, v19  }
0x67: {  	s31 =	simm.s32 $0x8;
	v23 =	vadd.f32 v20, v17  }
0x68: {  	v24 =	vmov s31  }
0x69: {  	s29 =	sshllo.u32 s28, $0x1;
	s0 =	simm.s32 $0x10;
	v20 =	vadd.f32 v21, v18;
	v21 =	vshrl.u32 v24, $0x3;
	[tilespmem:v22+s20+$0x0] =	vst.idx.msk $0xffff, v23  }
.LBB2_6:
0x6a: {  	p1 =	slt.u32 s0, $0x1F8  }
0x6b: {  	v21 =	vshll.u32 v21, v1;
	[tilespmem:v19+s20+$0x0] =	vst.idx.msk $0xffff, v20;
	s30 =	sadd.s32 $0x100, s30;
	s2 =	smov.u32 s0;
	s0 =	sadd.s32 $0x8, s0  }
0x6c: {  	v19 =	vld [tilespmem:s30+$0xFFFFFF80];
	v20 =	vbroadcast v21, $0x0  }
0x6d: {  	v21 =	vld [tilespmem:s30+$0xFFFFFF90]  }
0x6e: {  	v22 =	vadd.s32 v0, v20  }
0x6f: {  	v20 =	vadd.s32 v2, v20;
	_ =	sdelay $0x1  }
0x70: {  	s1 =	sadd.s32 $0x1, s31;
	v19 =	vadd.f32 v19, v17  }
0x71: {  	v23 =	vmov s1;
	v21 =	vadd.f32 v21, v18  }
0x72: {  	[tilespmem:v22+s20+$0x0] =	vst.idx.msk $0xffff, v19;
	v19 =	vshrl.u32 v23, $0x3  }
0x73: {  	[tilespmem:v20+s20+$0x0] =	vst.idx.msk $0xffff, v21;
	v19 =	vshll.u32 v19, v1  }
0x74: {  	v20 =	vld [tilespmem:s30+$0xFFFFFFA0];
	v19 =	vbroadcast v19, $0x0  }
0x75: {  	v21 =	vld [tilespmem:s30+$0xFFFFFFB0]  }
0x76: {  	v22 =	vadd.s32 v3, v19  }
0x77: {  	v19 =	vadd.s32 v4, v19;
	_ =	sdelay $0x1  }
0x78: {  	s1 =	sadd.s32 $0x2, s31;
	v20 =	vadd.f32 v20, v17  }
0x79: {  	v23 =	vmov s1;
	v21 =	vadd.f32 v21, v18  }
0x7a: {  	[tilespmem:v22+s20+$0x0] =	vst.idx.msk $0xffff, v20;
	v20 =	vshrl.u32 v23, $0x3  }
0x7b: {  	[tilespmem:v19+s20+$0x0] =	vst.idx.msk $0xffff, v21;
	v19 =	vshll.u32 v20, v1  }
0x7c: {  	v20 =	vld [tilespmem:s30+$0xFFFFFFC0];
	v19 =	vbroadcast v19, $0x0  }
0x7d: {  	v21 =	vld [tilespmem:s30+$0xFFFFFFD0]  }
0x7e: {  	v22 =	vadd.s32 v5, v19  }
0x7f: {  	v19 =	vadd.s32 v6, v19;
	_ =	sdelay $0x1  }
0x80: {  	s1 =	sadd.s32 $0x3, s31;
	v20 =	vadd.f32 v20, v17  }
0x81: {  	v23 =	vmov s1;
	v21 =	vadd.f32 v21, v18  }
0x82: {  	[tilespmem:v22+s20+$0x0] =	vst.idx.msk $0xffff, v20;
	v20 =	vshrl.u32 v23, $0x3  }
0x83: {  	[tilespmem:v19+s20+$0x0] =	vst.idx.msk $0xffff, v21;
	v19 =	vshll.u32 v20, v1  }
0x84: {  	v20 =	vld [tilespmem:s30+$0xFFFFFFE0];
	v19 =	vbroadcast v19, $0x0  }
0x85: {  	v21 =	vld [tilespmem:s30+$0xFFFFFFF0]  }
0x86: {  	v22 =	vadd.s32 v7, v19  }
0x87: {  	v19 =	vadd.s32 v8, v19;
	_ =	sdelay $0x1  }
0x88: {  	s1 =	sadd.s32 $0x4, s31;
	v20 =	vadd.f32 v20, v17  }
0x89: {  	v23 =	vmov s1;
	v21 =	vadd.f32 v21, v18  }
0x8a: {  	[tilespmem:v22+s20+$0x0] =	vst.idx.msk $0xffff, v20;
	v20 =	vshrl.u32 v23, $0x3  }
0x8b: {  	[tilespmem:v19+s20+$0x0] =	vst.idx.msk $0xffff, v21;
	v19 =	vshll.u32 v20, v1  }
0x8c: {  	v20 =	vld [tilespmem:s30+$0x0];
	v19 =	vbroadcast v19, $0x0  }
0x8d: {  	v21 =	vld [tilespmem:s30+$0x10]  }
0x8e: {  	v22 =	vadd.s32 v9, v19  }
0x8f: {  	v19 =	vadd.s32 v10, v19;
	_ =	sdelay $0x1  }
0x90: {  	s1 =	sadd.s32 $0x5, s31;
	v20 =	vadd.f32 v20, v17  }
0x91: {  	v23 =	vmov s1;
	v21 =	vadd.f32 v21, v18  }
0x92: {  	[tilespmem:v22+s20+$0x0] =	vst.idx.msk $0xffff, v20;
	v20 =	vshrl.u32 v23, $0x3  }
0x93: {  	[tilespmem:v19+s20+$0x0] =	vst.idx.msk $0xffff, v21;
	v19 =	vshll.u32 v20, v1  }
0x94: {  	v20 =	vld [tilespmem:s30+$0x20];
	v19 =	vbroadcast v19, $0x0  }
0x95: {  	v21 =	vld [tilespmem:s30+$0x30]  }
0x96: {  	v22 =	vadd.s32 v11, v19  }
0x97: {  	v19 =	vadd.s32 v12, v19;
	_ =	sdelay $0x1  }
0x98: {  	s1 =	sadd.s32 $0x6, s31;
	v20 =	vadd.f32 v20, v17  }
0x99: {  	v23 =	vmov s1;
	v21 =	vadd.f32 v21, v18  }
0x9a: {  	[tilespmem:v22+s20+$0x0] =	vst.idx.msk $0xffff, v20;
	v20 =	vshrl.u32 v23, $0x3  }
0x9b: {  	[tilespmem:v19+s20+$0x0] =	vst.idx.msk $0xffff, v21;
	v19 =	vshll.u32 v20, v1  }
0x9c: {  	v20 =	vld [tilespmem:s30+$0x40];
	v19 =	vbroadcast v19, $0x0  }
0x9d: {  	v21 =	vld [tilespmem:s30+$0x50]  }
0x9e: {  	v22 =	vadd.s32 v13, v19  }
0x9f: {  	v19 =	vadd.s32 v14, v19;
	_ =	sdelay $0x1  }
0xa0: {  	s1 =	sadd.s32 $0x7, s31;
	s31 =	smov.u32 s2;
	v20 =	vadd.f32 v20, v17  }
0xa1: {  	v23 =	vmov s1;
	v21 =	vadd.f32 v21, v18  }
0xa2: {  	[tilespmem:v22+s20+$0x0] =	vst.idx.msk $0xffff, v20;
	v20 =	vshrl.u32 v23, $0x3  }
0xa3: {  	[tilespmem:v19+s20+$0x0] =	vst.idx.msk $0xffff, v21;
	v19 =	vshll.u32 v20, v1  }
0xa4: {  	v20 =	vld [tilespmem:s30+$0x60];
	v19 =	vbroadcast v19, $0x0  }
0xa5: {  	v21 =	vld [tilespmem:s30+$0x70]  }
0xa6: {  	v22 =	vadd.s32 v15, v19  }
.Ltmp2:
0xa7: {  	v19 =	vadd.s32 v16, v19;
	(pc) =	sbr.rel @p1 .LBB2_6-.Ltmp2, $4  }
0xa8: {  	_ = 	snop  }
0xa9: {  	v23 =	vadd.f32 v20, v17  }
0xaa: {  	v24 =	vmov s31;
	v20 =	vadd.f32 v21, v18  }
0xab: {  	v21 =	vshrl.u32 v24, $0x3;
	[tilespmem:v22+s20+$0x0] =	vst.idx.msk $0xffff, v23  }
0xac: {  	_ =	sdelay $0x3  }
0xad: {  	v21 =	vshll.u32 v21, v1;
	[tilespmem:v19+s20+$0x0] =	vst.idx.msk $0xffff, v20;
	s0 =	sadd.s32 $0x100, s30  }
0xae: {  	v19 =	vld [tilespmem:s0+$0xFFFFFF80];
	v37 =	vbroadcast v21, $0x0  }
0xaf: {  	v38 =	vld [tilespmem:s0+$0xFFFFFF90]  }
0xb0: {  	v22 =	vadd.s32 v0, v37  }
0xb1: {  	v20 =	vadd.s32 v2, v37;
	_ =	sdelay $0x1  }
0xb2: {  	s1 =	sadd.s32 $0x1, s31;
	v19 =	vadd.f32 v19, v17  }
0xb3: {  	v23 =	vmov s1;
	v21 =	vadd.f32 v38, v18  }
0xb4: {  	[tilespmem:v22+s20+$0x0] =	vst.idx.msk $0xffff, v19;
	v19 =	vshrl.u32 v23, $0x3  }
0xb5: {  	[tilespmem:v20+s20+$0x0] =	vst.idx.msk $0xffff, v21;
	v19 =	vshll.u32 v19, v1  }
0xb6: {  	v20 =	vld [tilespmem:s0+$0xFFFFFFA0];
	v19 =	vbroadcast v19, $0x0  }
0xb7: {  	v21 =	vld [tilespmem:s0+$0xFFFFFFB0]  }
0xb8: {  	v39 =	vadd.s32 v3, v19  }
0xb9: {  	v19 =	vadd.s32 v4, v19;
	_ =	sdelay $0x1  }
0xba: {  	s2 =	sadd.s32 $0x2, s31;
	v20 =	vadd.f32 v20, v17  }
0xbb: {  	v40 =	vmov s2;
	v21 =	vadd.f32 v21, v18  }
0xbc: {  	v41 =	vshrl.u32 v40, $0x3;
	[tilespmem:v39+s20+$0x0] =	vst.idx.msk $0xffff, v20  }
0xbd: {  	[tilespmem:v19+s20+$0x0] =	vst.idx.msk $0xffff, v21;
	v19 =	vshll.u32 v41, v1  }
0xbe: {  	v42 =	vld [tilespmem:s0+$0xFFFFFFC0];
	v19 =	vbroadcast v19, $0x0  }
0xbf: {  	v21 =	vld [tilespmem:s0+$0xFFFFFFD0]  }
0xc0: {  	v43 =	vadd.s32 v5, v19  }
0xc1: {  	v19 =	vadd.s32 v6, v19;
	_ =	sdelay $0x1  }
0xc2: {  	s2 =	sadd.s32 $0x3, s31;
	v20 =	vadd.f32 v42, v17  }
0xc3: {  	v44 =	vmov s2;
	v21 =	vadd.f32 v21, v18  }
0xc4: {  	v45 =	vshrl.u32 v44, $0x3;
	[tilespmem:v43+s20+$0x0] =	vst.idx.msk $0xffff, v20  }
0xc5: {  	[tilespmem:v19+s20+$0x0] =	vst.idx.msk $0xffff, v21;
	v19 =	vshll.u32 v45, v1  }
0xc6: {  	v46 =	vld [tilespmem:s0+$0xFFFFFFE0];
	v19 =	vbroadcast v19, $0x0  }
0xc7: {  	v21 =	vld [tilespmem:s0+$0xFFFFFFF0]  }
0xc8: {  	v47 =	vadd.s32 v7, v19  }
0xc9: {  	v19 =	vadd.s32 v8, v19;
	_ =	sdelay $0x1  }
0xca: {  	s2 =	sadd.s32 $0x4, s31;
	v20 =	vadd.f32 v46, v17  }
0xcb: {  	v48 =	vmov s2;
	v21 =	vadd.f32 v21, v18  }
0xcc: {  	v49 =	vshrl.u32 v48, $0x3;
	[tilespmem:v47+s20+$0x0] =	vst.idx.msk $0xffff, v20  }
0xcd: {  	[tilespmem:v19+s20+$0x0] =	vst.idx.msk $0xffff, v21;
	v19 =	vshll.u32 v49, v1  }
0xce: {  	v50 =	vld [tilespmem:s0+$0x0];
	v19 =	vbroadcast v19, $0x0  }
0xcf: {  	v21 =	vld [tilespmem:s0+$0x10]  }
0xd0: {  	v51 =	vadd.s32 v9, v19  }
0xd1: {  	v19 =	vadd.s32 v10, v19;
	_ =	sdelay $0x1  }
0xd2: {  	s2 =	sadd.s32 $0x5, s31;
	v20 =	vadd.f32 v50, v17  }
0xd3: {  	v52 =	vmov s2;
	v21 =	vadd.f32 v21, v18  }
0xd4: {  	v53 =	vshrl.u32 v52, $0x3;
	[tilespmem:v51+s20+$0x0] =	vst.idx.msk $0xffff, v20  }
0xd5: {  	[tilespmem:v19+s20+$0x0] =	vst.idx.msk $0xffff, v21;
	v19 =	vshll.u32 v53, v1  }
0xd6: {  	v54 =	vld [tilespmem:s0+$0x20];
	v19 =	vbroadcast v19, $0x0  }
0xd7: {  	v21 =	vld [tilespmem:s0+$0x30]  }
0xd8: {  	v55 =	vadd.s32 v11, v19  }
0xd9: {  	v19 =	vadd.s32 v12, v19;
	_ =	sdelay $0x1  }
0xda: {  	s2 =	sadd.s32 $0x6, s31;
	v20 =	vadd.f32 v54, v17  }
0xdb: {  	v56 =	vmov s2;
	v21 =	vadd.f32 v21, v18  }
0xdc: {  	v57 =	vshrl.u32 v56, $0x3;
	[tilespmem:v55+s20+$0x0] =	vst.idx.msk $0xffff, v20  }
0xdd: {  	[tilespmem:v19+s20+$0x0] =	vst.idx.msk $0xffff, v21;
	v19 =	vshll.u32 v57, v1  }
0xde: {  	v58 =	vld [tilespmem:s0+$0x40];
	v19 =	vbroadcast v19, $0x0  }
0xdf: {  	v21 =	vld [tilespmem:s0+$0x50]  }
0xe0: {  	v59 =	vadd.s32 v13, v19  }
0xe1: {  	v19 =	vadd.s32 v14, v19;
	_ =	sdelay $0x1  }
0xe2: {  	s2 =	sadd.s32 $0x7, s31;
	v20 =	vadd.f32 v58, v17  }
0xe3: {  	v60 =	vmov s2;
	v21 =	vadd.f32 v21, v18  }
0xe4: {  	v61 =	vshrl.u32 v60, $0x3;
	[tilespmem:v59+s20+$0x0] =	vst.idx.msk $0xffff, v20  }
0xe5: {  	[tilespmem:v19+s20+$0x0] =	vst.idx.msk $0xffff, v21;
	v19 =	vshll.u32 v61, v1  }
0xe6: {  	v62 =	vld [tilespmem:s0+$0x60];
	v19 =	vbroadcast v19, $0x0  }
0xe7: {  	v21 =	vld [tilespmem:s0+$0x70]  }
0xe8: {  	v63 =	vadd.s32 v15, v19  }
0xe9: {  	v19 =	vadd.s32 v16, v19  }
0xea: {  	s2 =	sshll.u32 s28, $0x14  }
0xeb: {  	s0 =	sor.u32 s5, s2;
	v17 =	vadd.f32 v62, v17  }
0xec: {  	s0 =	sshrl.u32 s0, $0x3;
	v18 =	vadd.f32 v21, v18  }
0xed: {  	s30 =	simm.s32 $0x800;
	s0 =	sadd.s32 s7, s0;
	[tilespmem:v63+s20+$0x0] =	vst.idx.msk $0xffff, v17  }
0xee: {  	s31 =	simm.s32 $0x8608;
	s2 =	simm.s32 $0x8400;
	s1 =	sadd.s32 $0x0, s0;
	[tilespmem:v19+s20+$0x0] =	vst.idx.msk $0xffff, v18  }
.LBB2_8:
0xef: {  	[hbm4b:s1+s3] =	stream.linear.scatter [tilespmem:s2], [sflag:$0x5], $0x200, $0x38;
	[tilespmem:$0x11F00] =	vst v63  }
0xf0: {  	s1 =	smov.u32 s30;
	s2 =	smov.u32 s31;
	p1 =	sne.s32 s30, $0xF800  }
.Ltmp3:
0xf1: {  	s30 =	sadd.s32 $0x800, s30;
	(pc) =	sbr.rel @p1 .LBB2_8-.Ltmp3, $2  }
0xf2: {  	_ =	sdelay $0x2  }
0xf3: {  	s31 =	sadd.s32 $0x208, s31;
	s1 =	sadd.s32 s1, s0  }
0xf4: {  	p1 =	sne.s32 s28, $0x63  }
.Ltmp4:
0xf5: {  	_ = 	snop;
	(pc) =	sbr.rel @p1 .LBB2_11-.Ltmp4, $2  }
0xf6: {  	_ =	sdelay $0x2  }
0xf7: {  	[hbm4b:s1+s3] =	stream.linear.scatter [tilespmem:s2], [sflag:$0x5], $0x200, $0x38;
	[tilespmem:$0x11F00] =	vst v63  }
.Ltmp5:
0xf8: {  	(pc) =	sbr.rel .LBB2_12-.Ltmp5, $4  }
0xf9: {  	_ = 	snop  }
0xfa: {  	_ =	swait.ge [sflag:s21], $0x4000  }
0xfb: {  	[sflag:s21] =	ssyncset.done $0x0  }
0xfc: {  	[sflag:s21] =	ssyncadd.s32 $0xFFFFC000  }
.LBB2_11:
0xfd: {  	_ =	swait.ge [sflag:s25], $0x200  }
0xfe: {  	[sflag:s25] =	ssyncset.done $0x0  }
0xff: {  	[sflag:s25] =	ssyncadd.s32 $0xFFFFFE00  }
0x100: {  	[tilespmem:s16], [sflag:$0x3] =	stream.indirect.gather [hbm4b:s6+s15], $0x20, s3, s15, $0xb8;
	[tilespmem:$0x11F00] =	vst v63  }
.Ltmp6:
0x101: {  	s0 =	sshll.u32 s28, $0xF;
	(pc) =	sbr.rel @p0 .LBB2_13-.Ltmp6, $4  }
0x102: {  	s0 =	sadd.s32 s11, s0;
	_ =	swait.ge [sflag:s21], $0x4000  }
0x103: {  	s0 =	sshrl.u32 s0, $0x3;
	[sflag:s21] =	ssyncset.done $0x0  }
0x104: {  	s0 =	sadd.s32 s4, s0;
	[sflag:s21] =	ssyncadd.s32 $0xFFFFC000  }
0x105: {  	[tilespmem:s15], [sflag:$0x2] =	stream.linear.gather [hbm4b:s0+s3], $0x200, $0x38;
	[tilespmem:$0x11F00] =	vst v63  }
.LBB2_12:
0x106: {  	_ =	swait.ge [sflag:s22], $0x4000  }
0x107: {  	[sflag:s22] =	ssyncset.done $0x0  }
0x108: {  	[sflag:s22] =	ssyncadd.s32 $0xFFFFC000  }
.LBB2_13:
0x109: {  	s1 =	simm.s32 $0x0  }
0x10a: {  	s30 =	simm.s32 $0x4480;
	v18 =	vmov s1  }
0x10b: {  	s0 =	sshll.u32 s29, $0x5;
	v20 =	vld [tilespmem:s30+$0xFFFFFF80];
	v19 =	vshrl.u32 v18, $0x3  }
0x10c: {  	s0 =	sand.u32 $0x3FFFFFE0, s0;
	v21 =	vld [tilespmem:s30+$0xFFFFFF90];
	v19 =	vshll.u32 v19, v1  }
0x10d: {  	v17 =	vld [tilespmem:s0+$0x10600];
	v19 =	vbroadcast v19, $0x0  }
0x10e: {  	v18 =	vld [tilespmem:s0+$0x10610]  }
0x10f: {  	v22 =	vadd.s32 v0, v19  }
0x110: {  	v19 =	vadd.s32 v2, v19;
	_ =	sdelay $0x1  }
0x111: {  	s2 =	simm.s32 $0x1;
	v20 =	vadd.f32 v20, v17  }
0x112: {  	v23 =	vmov s2;
	v21 =	vadd.f32 v21, v18  }
0x113: {  	[tilespmem:v22+s23+$0x0] =	vst.idx.msk $0xffff, v20;
	v20 =	vshrl.u32 v23, $0x3  }
0x114: {  	[tilespmem:v19+s23+$0x0] =	vst.idx.msk $0xffff, v21;
	v19 =	vshll.u32 v20, v1  }
0x115: {  	v20 =	vld [tilespmem:s30+$0xFFFFFFA0];
	v19 =	vbroadcast v19, $0x0  }
0x116: {  	v21 =	vld [tilespmem:s30+$0xFFFFFFB0]  }
0x117: {  	v22 =	vadd.s32 v3, v19  }
0x118: {  	v19 =	vadd.s32 v4, v19;
	_ =	sdelay $0x1  }
0x119: {  	s1 =	simm.s32 $0x2;
	v20 =	vadd.f32 v20, v17  }
0x11a: {  	v23 =	vmov s1;
	v21 =	vadd.f32 v21, v18  }
0x11b: {  	[tilespmem:v22+s23+$0x0] =	vst.idx.msk $0xffff, v20;
	v20 =	vshrl.u32 v23, $0x3  }
0x11c: {  	[tilespmem:v19+s23+$0x0] =	vst.idx.msk $0xffff, v21;
	v19 =	vshll.u32 v20, v1  }
0x11d: {  	v20 =	vld [tilespmem:s30+$0xFFFFFFC0];
	v19 =	vbroadcast v19, $0x0  }
0x11e: {  	v21 =	vld [tilespmem:s30+$0xFFFFFFD0]  }
0x11f: {  	v22 =	vadd.s32 v5, v19  }
0x120: {  	v19 =	vadd.s32 v6, v19;
	_ =	sdelay $0x1  }
0x121: {  	s2 =	simm.s32 $0x3;
	v20 =	vadd.f32 v20, v17  }
0x122: {  	v23 =	vmov s2;
	v21 =	vadd.f32 v21, v18  }
0x123: {  	[tilespmem:v22+s23+$0x0] =	vst.idx.msk $0xffff, v20;
	v20 =	vshrl.u32 v23, $0x3  }
0x124: {  	[tilespmem:v19+s23+$0x0] =	vst.idx.msk $0xffff, v21;
	v19 =	vshll.u32 v20, v1  }
0x125: {  	v20 =	vld [tilespmem:s30+$0xFFFFFFE0];
	v19 =	vbroadcast v19, $0x0  }
0x126: {  	v21 =	vld [tilespmem:s30+$0xFFFFFFF0]  }
0x127: {  	v22 =	vadd.s32 v7, v19  }
0x128: {  	v19 =	vadd.s32 v8, v19;
	_ =	sdelay $0x1  }
0x129: {  	s1 =	simm.s32 $0x4;
	v20 =	vadd.f32 v20, v17  }
0x12a: {  	v23 =	vmov s1;
	v21 =	vadd.f32 v21, v18  }
0x12b: {  	[tilespmem:v22+s23+$0x0] =	vst.idx.msk $0xffff, v20;
	v20 =	vshrl.u32 v23, $0x3  }
0x12c: {  	[tilespmem:v19+s23+$0x0] =	vst.idx.msk $0xffff, v21;
	v19 =	vshll.u32 v20, v1  }
0x12d: {  	v20 =	vld [tilespmem:s30+$0x0];
	v19 =	vbroadcast v19, $0x0  }
0x12e: {  	v21 =	vld [tilespmem:s30+$0x10]  }
0x12f: {  	v22 =	vadd.s32 v9, v19  }
0x130: {  	v19 =	vadd.s32 v10, v19;
	_ =	sdelay $0x1  }
0x131: {  	s2 =	simm.s32 $0x5;
	v20 =	vadd.f32 v20, v17  }
0x132: {  	v23 =	vmov s2;
	v21 =	vadd.f32 v21, v18  }
0x133: {  	[tilespmem:v22+s23+$0x0] =	vst.idx.msk $0xffff, v20;
	v20 =	vshrl.u32 v23, $0x3  }
0x134: {  	[tilespmem:v19+s23+$0x0] =	vst.idx.msk $0xffff, v21;
	v19 =	vshll.u32 v20, v1  }
0x135: {  	v20 =	vld [tilespmem:s30+$0x20];
	v19 =	vbroadcast v19, $0x0  }
0x136: {  	v21 =	vld [tilespmem:s30+$0x30]  }
0x137: {  	v22 =	vadd.s32 v11, v19  }
0x138: {  	v19 =	vadd.s32 v12, v19;
	_ =	sdelay $0x1  }
0x139: {  	s1 =	simm.s32 $0x6;
	v20 =	vadd.f32 v20, v17  }
0x13a: {  	v23 =	vmov s1;
	v21 =	vadd.f32 v21, v18  }
0x13b: {  	[tilespmem:v22+s23+$0x0] =	vst.idx.msk $0xffff, v20;
	v20 =	vshrl.u32 v23, $0x3  }
0x13c: {  	[tilespmem:v19+s23+$0x0] =	vst.idx.msk $0xffff, v21;
	v19 =	vshll.u32 v20, v1  }
0x13d: {  	v20 =	vld [tilespmem:s30+$0x40];
	v19 =	vbroadcast v19, $0x0  }
0x13e: {  	v21 =	vld [tilespmem:s30+$0x50]  }
0x13f: {  	v22 =	vadd.s32 v13, v19  }
0x140: {  	v19 =	vadd.s32 v14, v19;
	_ =	sdelay $0x1  }
0x141: {  	s2 =	simm.s32 $0x7;
	v20 =	vadd.f32 v20, v17  }
0x142: {  	v23 =	vmov s2;
	v21 =	vadd.f32 v21, v18  }
0x143: {  	[tilespmem:v22+s23+$0x0] =	vst.idx.msk $0xffff, v20;
	v20 =	vshrl.u32 v23, $0x3  }
0x144: {  	[tilespmem:v19+s23+$0x0] =	vst.idx.msk $0xffff, v21;
	v19 =	vshll.u32 v20, v1  }
0x145: {  	v20 =	vld [tilespmem:s30+$0x60];
	v19 =	vbroadcast v19, $0x0;
	_ =	sdelay $0x1  }
0x146: {  	v21 =	vld [tilespmem:s30+$0x70];
	v22 =	vadd.s32 v15, v19;
	_ =	sdelay $0x1  }
0x147: {  	v19 =	vadd.s32 v16, v19  }
0x148: {  	s31 =	simm.s32 $0x8;
	v23 =	vadd.f32 v20, v17  }
0x149: {  	v24 =	vmov s31  }
0x14a: {  	s0 =	simm.s32 $0x10;
	v20 =	vadd.f32 v21, v18;
	v21 =	vshrl.u32 v24, $0x3;
	[tilespmem:v22+s23+$0x0] =	vst.idx.msk $0xffff, v23  }
.LBB2_14:
0x14b: {  	p0 =	slt.u32 s0, $0x1F8  }
0x14c: {  	v21 =	vshll.u32 v21, v1;
	[tilespmem:v19+s23+$0x0] =	vst.idx.msk $0xffff, v20;
	s30 =	sadd.s32 $0x100, s30;
	s2 =	smov.u32 s0;
	s0 =	sadd.s32 $0x8, s0  }
0x14d: {  	v19 =	vld [tilespmem:s30+$0xFFFFFF80];
	v20 =	vbroadcast v21, $0x0  }
0x14e: {  	v21 =	vld [tilespmem:s30+$0xFFFFFF90]  }
0x14f: {  	v22 =	vadd.s32 v0, v20  }
0x150: {  	v20 =	vadd.s32 v2, v20;
	_ =	sdelay $0x1  }
0x151: {  	s1 =	sadd.s32 $0x1, s31;
	v19 =	vadd.f32 v19, v17  }
0x152: {  	v23 =	vmov s1;
	v21 =	vadd.f32 v21, v18  }
0x153: {  	[tilespmem:v22+s23+$0x0] =	vst.idx.msk $0xffff, v19;
	v19 =	vshrl.u32 v23, $0x3  }
0x154: {  	[tilespmem:v20+s23+$0x0] =	vst.idx.msk $0xffff, v21;
	v19 =	vshll.u32 v19, v1  }
0x155: {  	v20 =	vld [tilespmem:s30+$0xFFFFFFA0];
	v19 =	vbroadcast v19, $0x0  }
0x156: {  	v21 =	vld [tilespmem:s30+$0xFFFFFFB0]  }
0x157: {  	v22 =	vadd.s32 v3, v19  }
0x158: {  	v19 =	vadd.s32 v4, v19;
	_ =	sdelay $0x1  }
0x159: {  	s1 =	sadd.s32 $0x2, s31;
	v20 =	vadd.f32 v20, v17  }
0x15a: {  	v23 =	vmov s1;
	v21 =	vadd.f32 v21, v18  }
0x15b: {  	[tilespmem:v22+s23+$0x0] =	vst.idx.msk $0xffff, v20;
	v20 =	vshrl.u32 v23, $0x3  }
0x15c: {  	[tilespmem:v19+s23+$0x0] =	vst.idx.msk $0xffff, v21;
	v19 =	vshll.u32 v20, v1  }
0x15d: {  	v20 =	vld [tilespmem:s30+$0xFFFFFFC0];
	v19 =	vbroadcast v19, $0x0  }
0x15e: {  	v21 =	vld [tilespmem:s30+$0xFFFFFFD0]  }
0x15f: {  	v22 =	vadd.s32 v5, v19  }
0x160: {  	v19 =	vadd.s32 v6, v19;
	_ =	sdelay $0x1  }
0x161: {  	s1 =	sadd.s32 $0x3, s31;
	v20 =	vadd.f32 v20, v17  }
0x162: {  	v23 =	vmov s1;
	v21 =	vadd.f32 v21, v18  }
0x163: {  	[tilespmem:v22+s23+$0x0] =	vst.idx.msk $0xffff, v20;
	v20 =	vshrl.u32 v23, $0x3  }
0x164: {  	[tilespmem:v19+s23+$0x0] =	vst.idx.msk $0xffff, v21;
	v19 =	vshll.u32 v20, v1  }
0x165: {  	v20 =	vld [tilespmem:s30+$0xFFFFFFE0];
	v19 =	vbroadcast v19, $0x0  }
0x166: {  	v21 =	vld [tilespmem:s30+$0xFFFFFFF0]  }
0x167: {  	v22 =	vadd.s32 v7, v19  }
0x168: {  	v19 =	vadd.s32 v8, v19;
	_ =	sdelay $0x1  }
0x169: {  	s1 =	sadd.s32 $0x4, s31;
	v20 =	vadd.f32 v20, v17  }
0x16a: {  	v23 =	vmov s1;
	v21 =	vadd.f32 v21, v18  }
0x16b: {  	[tilespmem:v22+s23+$0x0] =	vst.idx.msk $0xffff, v20;
	v20 =	vshrl.u32 v23, $0x3  }
0x16c: {  	[tilespmem:v19+s23+$0x0] =	vst.idx.msk $0xffff, v21;
	v19 =	vshll.u32 v20, v1  }
0x16d: {  	v20 =	vld [tilespmem:s30+$0x0];
	v19 =	vbroadcast v19, $0x0  }
0x16e: {  	v21 =	vld [tilespmem:s30+$0x10]  }
0x16f: {  	v22 =	vadd.s32 v9, v19  }
0x170: {  	v19 =	vadd.s32 v10, v19;
	_ =	sdelay $0x1  }
0x171: {  	s1 =	sadd.s32 $0x5, s31;
	v20 =	vadd.f32 v20, v17  }
0x172: {  	v23 =	vmov s1;
	v21 =	vadd.f32 v21, v18  }
0x173: {  	[tilespmem:v22+s23+$0x0] =	vst.idx.msk $0xffff, v20;
	v20 =	vshrl.u32 v23, $0x3  }
0x174: {  	[tilespmem:v19+s23+$0x0] =	vst.idx.msk $0xffff, v21;
	v19 =	vshll.u32 v20, v1  }
0x175: {  	v20 =	vld [tilespmem:s30+$0x20];
	v19 =	vbroadcast v19, $0x0  }
0x176: {  	v21 =	vld [tilespmem:s30+$0x30]  }
0x177: {  	v22 =	vadd.s32 v11, v19  }
0x178: {  	v19 =	vadd.s32 v12, v19;
	_ =	sdelay $0x1  }
0x179: {  	s1 =	sadd.s32 $0x6, s31;
	v20 =	vadd.f32 v20, v17  }
0x17a: {  	v23 =	vmov s1;
	v21 =	vadd.f32 v21, v18  }
0x17b: {  	[tilespmem:v22+s23+$0x0] =	vst.idx.msk $0xffff, v20;
	v20 =	vshrl.u32 v23, $0x3  }
0x17c: {  	[tilespmem:v19+s23+$0x0] =	vst.idx.msk $0xffff, v21;
	v19 =	vshll.u32 v20, v1  }
0x17d: {  	v20 =	vld [tilespmem:s30+$0x40];
	v19 =	vbroadcast v19, $0x0  }
0x17e: {  	v21 =	vld [tilespmem:s30+$0x50]  }
0x17f: {  	v22 =	vadd.s32 v13, v19  }
0x180: {  	v19 =	vadd.s32 v14, v19;
	_ =	sdelay $0x1  }
0x181: {  	s1 =	sadd.s32 $0x7, s31;
	s31 =	smov.u32 s2;
	v20 =	vadd.f32 v20, v17  }
0x182: {  	v23 =	vmov s1;
	v21 =	vadd.f32 v21, v18  }
0x183: {  	[tilespmem:v22+s23+$0x0] =	vst.idx.msk $0xffff, v20;
	v20 =	vshrl.u32 v23, $0x3  }
0x184: {  	[tilespmem:v19+s23+$0x0] =	vst.idx.msk $0xffff, v21;
	v19 =	vshll.u32 v20, v1  }
0x185: {  	v20 =	vld [tilespmem:s30+$0x60];
	v19 =	vbroadcast v19, $0x0  }
0x186: {  	v21 =	vld [tilespmem:s30+$0x70]  }
0x187: {  	v22 =	vadd.s32 v15, v19  }
.Ltmp7:
0x188: {  	v19 =	vadd.s32 v16, v19;
	(pc) =	sbr.rel @p0 .LBB2_14-.Ltmp7, $4  }
0x189: {  	_ = 	snop  }
0x18a: {  	v23 =	vadd.f32 v20, v17  }
0x18b: {  	v24 =	vmov s31;
	v20 =	vadd.f32 v21, v18  }
0x18c: {  	v21 =	vshrl.u32 v24, $0x3;
	[tilespmem:v22+s23+$0x0] =	vst.idx.msk $0xffff, v23  }
0x18d: {  	_ =	sdelay $0x3  }
0x18e: {  	v21 =	vshll.u32 v21, v1;
	[tilespmem:v19+s23+$0x0] =	vst.idx.msk $0xffff, v20;
	s0 =	sadd.s32 $0x100, s30  }
0x18f: {  	v19 =	vld [tilespmem:s0+$0xFFFFFF80];
	v37 =	vbroadcast v21, $0x0  }
0x190: {  	v38 =	vld [tilespmem:s0+$0xFFFFFF90]  }
0x191: {  	v22 =	vadd.s32 v0, v37  }
0x192: {  	v20 =	vadd.s32 v2, v37;
	_ =	sdelay $0x1  }
0x193: {  	s1 =	sadd.s32 $0x1, s31;
	v19 =	vadd.f32 v19, v17  }
0x194: {  	v23 =	vmov s1;
	v21 =	vadd.f32 v38, v18  }
0x195: {  	[tilespmem:v22+s23+$0x0] =	vst.idx.msk $0xffff, v19;
	v19 =	vshrl.u32 v23, $0x3  }
0x196: {  	[tilespmem:v20+s23+$0x0] =	vst.idx.msk $0xffff, v21;
	v19 =	vshll.u32 v19, v1  }
0x197: {  	v20 =	vld [tilespmem:s0+$0xFFFFFFA0];
	v19 =	vbroadcast v19, $0x0  }
0x198: {  	v21 =	vld [tilespmem:s0+$0xFFFFFFB0]  }
0x199: {  	v39 =	vadd.s32 v3, v19  }
0x19a: {  	v19 =	vadd.s32 v4, v19;
	_ =	sdelay $0x1  }
0x19b: {  	s2 =	sadd.s32 $0x2, s31;
	v20 =	vadd.f32 v20, v17  }
0x19c: {  	v40 =	vmov s2;
	v21 =	vadd.f32 v21, v18  }
0x19d: {  	v41 =	vshrl.u32 v40, $0x3;
	[tilespmem:v39+s23+$0x0] =	vst.idx.msk $0xffff, v20  }
0x19e: {  	[tilespmem:v19+s23+$0x0] =	vst.idx.msk $0xffff, v21;
	v19 =	vshll.u32 v41, v1  }
0x19f: {  	v42 =	vld [tilespmem:s0+$0xFFFFFFC0];
	v19 =	vbroadcast v19, $0x0  }
0x1a0: {  	v21 =	vld [tilespmem:s0+$0xFFFFFFD0]  }
0x1a1: {  	v43 =	vadd.s32 v5, v19  }
0x1a2: {  	v19 =	vadd.s32 v6, v19;
	_ =	sdelay $0x1  }
0x1a3: {  	s2 =	sadd.s32 $0x3, s31;
	v20 =	vadd.f32 v42, v17  }
0x1a4: {  	v44 =	vmov s2;
	v21 =	vadd.f32 v21, v18  }
0x1a5: {  	v45 =	vshrl.u32 v44, $0x3;
	[tilespmem:v43+s23+$0x0] =	vst.idx.msk $0xffff, v20  }
0x1a6: {  	[tilespmem:v19+s23+$0x0] =	vst.idx.msk $0xffff, v21;
	v19 =	vshll.u32 v45, v1  }
0x1a7: {  	v46 =	vld [tilespmem:s0+$0xFFFFFFE0];
	v19 =	vbroadcast v19, $0x0  }
0x1a8: {  	v21 =	vld [tilespmem:s0+$0xFFFFFFF0]  }
0x1a9: {  	v47 =	vadd.s32 v7, v19  }
0x1aa: {  	v19 =	vadd.s32 v8, v19;
	_ =	sdelay $0x1  }
0x1ab: {  	s2 =	sadd.s32 $0x4, s31;
	v20 =	vadd.f32 v46, v17  }
0x1ac: {  	v48 =	vmov s2;
	v21 =	vadd.f32 v21, v18  }
0x1ad: {  	v49 =	vshrl.u32 v48, $0x3;
	[tilespmem:v47+s23+$0x0] =	vst.idx.msk $0xffff, v20  }
0x1ae: {  	[tilespmem:v19+s23+$0x0] =	vst.idx.msk $0xffff, v21;
	v19 =	vshll.u32 v49, v1  }
0x1af: {  	v50 =	vld [tilespmem:s0+$0x0];
	v19 =	vbroadcast v19, $0x0  }
0x1b0: {  	v21 =	vld [tilespmem:s0+$0x10]  }
0x1b1: {  	v51 =	vadd.s32 v9, v19  }
0x1b2: {  	v19 =	vadd.s32 v10, v19;
	_ =	sdelay $0x1  }
0x1b3: {  	s2 =	sadd.s32 $0x5, s31;
	v20 =	vadd.f32 v50, v17  }
0x1b4: {  	v52 =	vmov s2;
	v21 =	vadd.f32 v21, v18  }
0x1b5: {  	v53 =	vshrl.u32 v52, $0x3;
	[tilespmem:v51+s23+$0x0] =	vst.idx.msk $0xffff, v20  }
0x1b6: {  	[tilespmem:v19+s23+$0x0] =	vst.idx.msk $0xffff, v21;
	v19 =	vshll.u32 v53, v1  }
0x1b7: {  	v54 =	vld [tilespmem:s0+$0x20];
	v19 =	vbroadcast v19, $0x0  }
0x1b8: {  	v21 =	vld [tilespmem:s0+$0x30]  }
0x1b9: {  	v55 =	vadd.s32 v11, v19  }
0x1ba: {  	v19 =	vadd.s32 v12, v19;
	_ =	sdelay $0x1  }
0x1bb: {  	s2 =	sadd.s32 $0x6, s31;
	v20 =	vadd.f32 v54, v17  }
0x1bc: {  	v56 =	vmov s2;
	v21 =	vadd.f32 v21, v18  }
0x1bd: {  	v57 =	vshrl.u32 v56, $0x3;
	[tilespmem:v55+s23+$0x0] =	vst.idx.msk $0xffff, v20  }
0x1be: {  	[tilespmem:v19+s23+$0x0] =	vst.idx.msk $0xffff, v21;
	v19 =	vshll.u32 v57, v1  }
0x1bf: {  	v58 =	vld [tilespmem:s0+$0x40];
	v19 =	vbroadcast v19, $0x0  }
0x1c0: {  	v21 =	vld [tilespmem:s0+$0x50]  }
0x1c1: {  	v59 =	vadd.s32 v13, v19  }
0x1c2: {  	v19 =	vadd.s32 v14, v19;
	_ =	sdelay $0x1  }
0x1c3: {  	s2 =	sadd.s32 $0x7, s31;
	v20 =	vadd.f32 v58, v17  }
0x1c4: {  	v60 =	vmov s2;
	v21 =	vadd.f32 v21, v18  }
0x1c5: {  	v61 =	vshrl.u32 v60, $0x3;
	[tilespmem:v59+s23+$0x0] =	vst.idx.msk $0xffff, v20  }
0x1c6: {  	[tilespmem:v19+s23+$0x0] =	vst.idx.msk $0xffff, v21;
	v19 =	vshll.u32 v61, v1  }
0x1c7: {  	v62 =	vld [tilespmem:s0+$0x60];
	v19 =	vbroadcast v19, $0x0  }
0x1c8: {  	v21 =	vld [tilespmem:s0+$0x70]  }
0x1c9: {  	v63 =	vadd.s32 v15, v19  }
0x1ca: {  	v19 =	vadd.s32 v16, v19  }
0x1cb: {  	s31 =	sshll.u32 s29, $0x13  }
0x1cc: {  	s0 =	sor.u32 s5, s31;
	v17 =	vadd.f32 v62, v17  }
0x1cd: {  	s0 =	sshrl.u32 s0, $0x3;
	v18 =	vadd.f32 v21, v18  }
0x1ce: {  	s30 =	simm.s32 $0xC708;
	s0 =	sadd.s32 s7, s0;
	[tilespmem:v63+s23+$0x0] =	vst.idx.msk $0xffff, v17  }
0x1cf: {  	s29 =	simm.s32 $0x800;
	s2 =	simm.s32 $0xC500;
	s1 =	sadd.s32 $0x0, s0;
	[tilespmem:v19+s23+$0x0] =	vst.idx.msk $0xffff, v18  }
.LBB2_16:
0x1d0: {  	[hbm4b:s1+s3] =	stream.linear.scatter [tilespmem:s2], [sflag:$0x6], $0x200, $0x38;
	[tilespmem:$0x11F00] =	vst v63  }
0x1d1: {  	s1 =	smov.u32 s29;
	s2 =	smov.u32 s30;
	p0 =	sne.s32 s29, $0xF800  }
.Ltmp8:
0x1d2: {  	s29 =	sadd.s32 $0x800, s29;
	(pc) =	sbr.rel @p0 .LBB2_16-.Ltmp8, $2  }
0x1d3: {  	_ =	sdelay $0x2  }
0x1d4: {  	s30 =	sadd.s32 $0x208, s30;
	s1 =	sadd.s32 s1, s0  }
0x1d5: {  	s28 =	sadd.s32 $0x1, s28  }
0x1d6: {  	p0 =	sne.s32 s28, $0x64  }
.Ltmp9:
0x1d7: {  	_ = 	snop;
	(pc) =	sbr.rel @p0 .LBB2_2-.Ltmp9, $2  }
0x1d8: {  	_ =	sdelay $0x2  }
0x1d9: {  	[hbm4b:s1+s3] =	stream.linear.scatter [tilespmem:s2], [sflag:$0x6], $0x200, $0x38;
	[tilespmem:$0x11F00] =	vst v63  }
0x1da: {  	s26 =	sadd.s32 $0x1, s26  }
0x1db: {  	_ =	swait.ge [sflag:s24], $0x4000;
	p0 =	sne.s32 s26, s12  }
.Ltmp10:
0x1dc: {  	[sflag:s24] =	ssyncset.done $0x0;
	(pc) =	sbr.rel @p0 .LBB2_1-.Ltmp10, $4  }
0x1dd: {  	[sflag:s24] =	ssyncadd.s32 $0xFFFFC000  }
0x1de: {  	_ =	swait.ge [sflag:s22], $0x4000  }
0x1df: {  	[sflag:s22] =	ssyncset.done $0x0  }
0x1e0: {  	[sflag:s22] =	ssyncadd.s32 $0xFFFFC000  }
0x1e1: {  	_ =	sfence.sel $0x180000  }
0x1e2: {  	[bflag:$0x0] =	sbarrier.arrive $0xFFFF  }
0x1e3: {  	_ =	strace $0x90000047  }
0x1e4: {  	s0 =	stileid.u32;
	[bflag:$0x2] =	sbarrier.arrive $0xFFFF  }
0x1e5: {  	p0 =	sne.s32 s0, $0x0;
	s0 =	rddreg [dreg:$0x2]  }
0x1e6: {  	s0 =	sadd.s32 @!p0 $0x100000, s0  }
0x1e7: {  	[sflag:s0] =	ssyncadd.tile.s32 @!p0 $0x1;
	_ =	shalt  }
.Lfunc_end2:
_tile_overlayer_lowered:
.L_overlay_start_2:
0x1e8: {  	(tag) =	ssettag $0x2  }
0x1e9: {  	s0 =	rddreg [dreg:$0x0];
	s2 =	stileid.u32  }
0x1ea: {  	s1 =	rddreg [dreg:$0x1];
	p0 =	sne.s32 s2, $0x0  }
0x1eb: {  	s3 =	rddreg [dreg:$0x2];
	[bflag:$0x3] =	sbarrier.arrive $0xFFFF;
	s2 =	simm.s32 @!p0 $0x1C07  }
0x1ec: {  	[timem:s3], [sflag:s2] =	dma.local @!p0 [hbm:s0], s1  }
0x1ed: {  	s0 =	simm.s32 @!p0 $0x7  }
0x1ee: {  	_ =	swait.ge @!p0 [sflag:s0], s1  }
0x1ef: {  	s1 =	ssub.s32 @!p0 $0x0, s1;
	[sflag:s0] =	ssyncset.done @!p0 $0x0  }
0x1f0: {  	[sflag:s0] =	ssyncadd.s32 @!p0 s1  }
0x1f1: {  	[bflag:$0x3] =	sbarrier.arrive $0xFFFF  }
0x1f2: {  	_ =	shalt  }

</sc_bundles>
